<compile_context>
chip_gen: v7x
topology: tpu7x:2x2x1
jax: 0.10.2.dev20260603
libtpu: 0.0.44.dev20260713+nightly
codegen_flags: <defaults>
</compile_context>

<pallas_src>
import functools

import jax
import jax.numpy as jnp
from jax import lax
from jax.experimental import pallas as pl
from jax.experimental.pallas import tpu as pltpu
from jax.experimental.pallas import tpu_sc as plsc

N = 10000
NPAD = 10240
D = 128
E = 320000
HD = 32

NC = 2
NS = 16
CHUNK = 80
ECHUNKS = E // CHUNK
ROWS_PER_TILE = NPAD // NS
DEG_CHUNKS = E // (NC * NS) // CHUNK
MSG_CHUNKS = E // NS // CHUNK
IB = 10
NBATCH = MSG_CHUNKS // IB
ACC_ROWS = 10112
ACC_STRIPE = ACC_ROWS // NS

BS = 2048
NB = NPAD // BS


def _sc_mesh():
    return plsc.VectorSubcoreMesh(core_axis_name="c", subcore_axis_name="s",
                                  num_cores=NC, num_subcores=NS)


def _deg_body(dst3d, out, idx_v, ones_v, zeros_v, deg_sh):
    c = lax.axis_index("c")
    s = lax.axis_index("s")
    for i in range(CHUNK // 16):
        ones_v[pl.ds(i * 16, 16)] = jnp.full((16,), 1.0, jnp.float32)
    for i in range(ROWS_PER_TILE // 16):
        zeros_v[pl.ds(i * 16, 16)] = jnp.zeros((16,), jnp.float32)
    stripe = pl.ds(s * ROWS_PER_TILE, ROWS_PER_TILE)
    pltpu.sync_copy(zeros_v, deg_sh.at[stripe])
    plsc.subcore_barrier()
    pltpu.sync_copy(dst3d.at[c * NS + s], idx_v)

    @pl.loop(0, DEG_CHUNKS)
    def _(i):
        pltpu.sync_copy(ones_v, deg_sh.at[idx_v.at[i]], add=True)

    plsc.subcore_barrier()
    pltpu.sync_copy(deg_sh.at[stripe], out.at[c, 0, stripe])


@functools.cache
def _build_deg_kernel():
    return pl.kernel(
        _deg_body,
        out_type=jax.ShapeDtypeStruct((NC, 1, NPAD), jnp.float32),
        mesh=_sc_mesh(),
        scratch_types=[
            pltpu.VMEM((DEG_CHUNKS, CHUNK), jnp.int32),
            pltpu.VMEM((CHUNK,), jnp.float32),
            pltpu.VMEM((ROWS_PER_TILE,), jnp.float32),
            pltpu.VMEM_SHARED((NPAD,), jnp.float32),
        ],
    )


def _deg_kernel(dst2d):
    return _build_deg_kernel()(dst2d)


def _msg_body(ha, hc, ei5, out_a, out_c, idxb, rows, acc_sh, semg, semsc):
    c = lax.axis_index("c")
    s = lax.axis_index("s")
    stripe = pl.ds(s * ACC_STRIPE, ACC_STRIPE)

    def run(h_hbm, o_hbm):
        pltpu.sync_copy(h_hbm.at[stripe], acc_sh.at[stripe])
        plsc.subcore_barrier()

        pltpu.sync_copy(ei5.at[s, 0], idxb.at[0])
        pltpu.async_copy(h_hbm.at[idxb.at[0, 0, 0]], rows.at[0], semg.at[0])

        @pl.loop(0, MSG_CHUNKS // 2)
        def _(p):
            b = lax.div(p, IB // 2)
            k0 = 2 * lax.rem(p, IB // 2)
            islot = lax.rem(b, 2)
            at_batch_start = k0 == 0
            pltpu.make_async_copy(h_hbm.at[idxb.at[islot, 0, k0]],
                                  rows.at[0], semg.at[0]).wait()
            sc0 = pltpu.async_copy(rows.at[0], acc_sh.at[idxb.at[islot, 1, k0]],
                                   semsc.at[0], add=True)
            @pl.when(p > 0)
            def _():
                islot1 = jnp.where(at_batch_start, 1 - islot, islot)
                k1p = jnp.where(at_batch_start, IB - 1, k0 - 1)
                pltpu.make_async_copy(rows.at[1],
                                      acc_sh.at[idxb.at[islot1, 1, k1p]],
                                      semsc.at[1]).wait()
            @pl.when(jnp.logical_and(at_batch_start, b < NBATCH - 1))
            def _():
                pltpu.sync_copy(ei5.at[s, b + 1], idxb.at[1 - islot])
            g1 = pltpu.async_copy(h_hbm.at[idxb.at[islot, 0, k0 + 1]],
                                  rows.at[1], semg.at[1])
            g1.wait()
            sc0.wait()
            pltpu.async_copy(rows.at[1], acc_sh.at[idxb.at[islot, 1, k0 + 1]],
                             semsc.at[1], add=True)
            @pl.when(p < MSG_CHUNKS // 2 - 1)
            def _():
                j2 = 2 * p + 2
                b2 = lax.div(j2, IB)
                k2 = lax.rem(j2, IB)
                islot2 = lax.rem(b2, 2)
                pltpu.async_copy(h_hbm.at[idxb.at[islot2, 0, k2]],
                                 rows.at[0], semg.at[0])

        pltpu.make_async_copy(rows.at[1], acc_sh.at[idxb.at[0, 1, IB - 1]],
                              semsc.at[1]).wait()
        plsc.subcore_barrier()
        pltpu.sync_copy(acc_sh.at[stripe], o_hbm.at[pl.ds(s * ACC_STRIPE,
                                                          ACC_STRIPE)])

    @pl.when(c == 0)
    def _():
        run(ha, out_a)

    @pl.when(c == 1)
    def _():
        run(hc, out_c)


@functools.cache
def _build_msg_kernel():
    return pl.kernel(
        _msg_body,
        out_type=(
            jax.ShapeDtypeStruct((NPAD, D), jnp.float32),
            jax.ShapeDtypeStruct((NPAD, D), jnp.float32),
        ),
        mesh=_sc_mesh(),
        scratch_types=[
            pltpu.VMEM((2, 2, IB, CHUNK), jnp.int32),
            pltpu.VMEM((2, CHUNK, D), jnp.float32),
            pltpu.VMEM_SHARED((ACC_ROWS, D), jnp.float32),
            pltpu.SemaphoreType.DMA((2,)),
            pltpu.SemaphoreType.DMA((2,)),
        ],
    )


def _msg_kernel(ha, hc, ei5):
    return _build_msg_kernel()(ha, hc, ei5)


def _prep_body(deg_ref, x_ref, w2_ref, ha_ref, hc_ref, dinv_ref):
    deg = deg_ref[0, 0, :] + deg_ref[1, 0, :] + 1.0
    dinv = lax.rsqrt(deg)[:, None]
    xb = x_ref[...]
    dn = (((1,), (1,)), ((), ()))
    ha_ref[...] = lax.dot_general(xb, w2_ref[0], dn,
                                  preferred_element_type=jnp.float32) * dinv
    hc_ref[...] = lax.dot_general(xb, w2_ref[1], dn,
                                  preferred_element_type=jnp.float32) * dinv
    dinv_ref[...] = dinv


def _tc_prep(deg2, x_pad, w2):
    return pl.pallas_call(
        _prep_body,
        grid=(NB,),
        in_specs=[
            pl.BlockSpec((2, 1, BS), lambda i: (0, 0, i)),
            pl.BlockSpec((BS, D), lambda i: (i, 0)),
            pl.BlockSpec((2, D, D), lambda i: (0, 0, 0)),
        ],
        out_specs=[
            pl.BlockSpec((BS, D), lambda i: (i, 0)),
            pl.BlockSpec((BS, D), lambda i: (i, 0)),
            pl.BlockSpec((BS, 1), lambda i: (i, 0)),
        ],
        out_shape=[
            jax.ShapeDtypeStruct((NPAD, D), jnp.float32),
            jax.ShapeDtypeStruct((NPAD, D), jnp.float32),
            jax.ShapeDtypeStruct((NPAD, 1), jnp.float32),
        ],
    )(deg2, x_pad, w2)


def _heads_body(acc_a_ref, acc_c_ref, dinv_ref, x_ref, ab_ref, cb_ref,
                a1W_ref, a1b_ref, a2W_ref, a2b_ref, a3W_ref, a3b_ref,
                c1W_ref, c1b_ref, c2W_ref, c2b_ref, c3W_ref, c3b_ref,
                conc_ref, val_ref, psum):
    i = pl.program_id(0)
    dn = (((1,), (1,)), ((), ()))
    dinv = dinv_ref[...]
    xb = x_ref[...]
    out_a = jnp.maximum(acc_a_ref[...] * dinv + ab_ref[...][None, :], 0.0)
    h = out_a + xb
    h1 = jnp.maximum(lax.dot_general(h, a1W_ref[...], dn) + a1b_ref[...][None, :], 0.0)
    h2 = jnp.maximum(lax.dot_general(h1, a2W_ref[...], dn) + a2b_ref[...][None, :], 0.0)
    a3 = lax.dot_general(h2, a3W_ref[...], dn) + a3b_ref[0]
    conc_ref[...] = jax.nn.softplus(a3) + 1e-20

    out_c = jnp.maximum(acc_c_ref[...] * dinv + cb_ref[...][None, :], 0.0) + xb
    rid = lax.broadcasted_iota(jnp.int32, (BS, 1), 0) + i * BS
    out_c = jnp.where(rid < N, out_c, 0.0)
    part = jnp.sum(out_c, axis=0, keepdims=True)

    @pl.when(i == 0)
    def _():
        psum[...] = part

    @pl.when(i > 0)
    def _():
        psum[...] = psum[...] + part

    @pl.when(i == NB - 1)
    def _():
        hcv = psum[...]
        h1c = jnp.maximum(lax.dot_general(hcv, c1W_ref[...], dn) + c1b_ref[...][None, :], 0.0)
        h2c = jnp.maximum(lax.dot_general(h1c, c2W_ref[...], dn) + c2b_ref[...][None, :], 0.0)
        v = lax.dot_general(h2c, c3W_ref[...], dn) + c3b_ref[0]
        val_ref[...] = jnp.broadcast_to(v, (8, 8))


def _tc_heads(acc_a, acc_c, dinv, x_pad, ab, cb,
              a1W, a1b, a2W, a2b, a3W, a3b, c1W, c1b, c2W, c2b, c3W, c3b):
    def full(*shape):
        return pl.BlockSpec(shape, lambda i: (0,) * len(shape))
    return pl.pallas_call(
        _heads_body,
        grid=(NB,),
        in_specs=[
            pl.BlockSpec((BS, D), lambda i: (i, 0)),
            pl.BlockSpec((BS, D), lambda i: (i, 0)),
            pl.BlockSpec((BS, 1), lambda i: (i, 0)),
            pl.BlockSpec((BS, D), lambda i: (i, 0)),
            full(D), full(D),
            full(HD, D), full(HD), full(HD, HD), full(HD), full(8, HD), full(1),
            full(HD, D), full(HD), full(HD, HD), full(HD), full(8, HD), full(1),
        ],
        out_specs=[
            pl.BlockSpec((BS, 8), lambda i: (i, 0)),
            pl.BlockSpec((8, 8), lambda i: (0, 0)),
        ],
        out_shape=[
            jax.ShapeDtypeStruct((NPAD, 8), jnp.float32),
            jax.ShapeDtypeStruct((8, 8), jnp.float32),
        ],
        scratch_shapes=[pltpu.VMEM((1, 128), jnp.float32)],
    )(acc_a, acc_c, dinv, x_pad, ab, cb,
      a1W, a1b, a2W, a2b, a3W, a3b, c1W, c1b, c2W, c2b, c3W, c3b)


def kernel(x, edge_index, aW, ab, a1W, a1b, a2W, a2b, a3W, a3b,
           cW, cb, c1W, c1b, c2W, c2b, c3W, c3b):
    ei5 = jnp.transpose(edge_index.reshape(2, NS, NBATCH, IB, CHUNK),
                        (1, 2, 0, 3, 4))
    dst3d_deg = edge_index[1].reshape(NC * NS, DEG_CHUNKS, CHUNK)
    x_pad = jnp.pad(x, ((0, NPAD - N), (0, 0)))
    deg2 = _deg_kernel(dst3d_deg)
    w2 = jnp.stack([aW, cW])
    ha, hcr, dinv = _tc_prep(deg2, x_pad, w2)
    acc_a, acc_c = _msg_kernel(ha, hcr, ei5)
    a3Wp = jnp.pad(a3W, ((0, 7), (0, 0)))
    c3Wp = jnp.pad(c3W, ((0, 7), (0, 0)))
    conc2d, val = _tc_heads(acc_a, acc_c, dinv, x_pad, ab, cb,
                            a1W, a1b, a2W, a2b, a3Wp, a3b,
                            c1W, c1b, c2W, c2b, c3Wp, c3b)
    return conc2d[:N, 0], val[0, :1]

# --- scband reference (transcript-rebuilt; emitter-appended) ---
"""Pipeline reference for scband-a2-c-80779744903178 (READ-ONLY COPY).

The authoritative reference and input builder live on the scoring server;
editing this copy changes nothing except your own understanding.
"""

import jax, jax.numpy as jnp
import numpy as np

N = 10000
E = 320000
D = 128
H = 32


def _linear_params(key, out_f, in_f):
    k1, k2 = jax.random.split(key)
    bound = 1.0 / np.sqrt(in_f)
    W = jax.random.uniform(k1, (out_f, in_f), minval=-bound, maxval=bound, dtype=jnp.float32)
    b = jax.random.uniform(k2, (out_f,), minval=-bound, maxval=bound, dtype=jnp.float32)
    return W, b


def setup_inputs(seed: int = 0) -> dict:
    key = jax.random.key(seed)
    ks = jax.random.split(key, 12)
    x = jax.random.normal(ks[0], (N, D), dtype=jnp.float32)
    edge_index = jax.random.randint(ks[1], (2, E), 0, N, dtype=jnp.int32)
    # actor params
    glorot = np.sqrt(6.0 / (D + D))
    aW = jax.random.uniform(ks[2], (D, D), minval=-glorot, maxval=glorot, dtype=jnp.float32)
    ab = jnp.zeros((D,), dtype=jnp.float32)
    a1W, a1b = _linear_params(ks[3], H, D)
    a2W, a2b = _linear_params(ks[4], H, H)
    a3W, a3b = _linear_params(ks[5], 1, H)
    # critic params
    cW = jax.random.uniform(ks[6], (D, D), minval=-glorot, maxval=glorot, dtype=jnp.float32)
    cb = jnp.zeros((D,), dtype=jnp.float32)
    c1W, c1b = _linear_params(ks[7], H, D)
    c2W, c2b = _linear_params(ks[8], H, H)
    c3W, c3b = _linear_params(ks[9], 1, H)
    return {
        'x': x, 'edge_index': edge_index,
        'aW': aW, 'ab': ab, 'a1W': a1W, 'a1b': a1b, 'a2W': a2W, 'a2b': a2b, 'a3W': a3W, 'a3b': a3b,
        'cW': cW, 'cb': cb, 'c1W': c1W, 'c1b': c1b, 'c2W': c2W, 'c2b': c2b, 'c3W': c3W, 'c3b': c3b,
    }


def gcn_conv(x, edge_index, W, b):
    # PyG-style GCNConv: add self-loops, symmetric normalization, scatter-add aggregation
    n = x.shape[0]
    src = edge_index[0]
    dst = edge_index[1]
    loop = jnp.arange(n, dtype=src.dtype)
    src = jnp.concatenate([src, loop])
    dst = jnp.concatenate([dst, loop])
    deg = jnp.zeros((n,), dtype=x.dtype).at[dst].add(1.0)
    dinv = jnp.where(deg > 0, jax.lax.rsqrt(deg), 0.0)
    norm = dinv[src] * dinv[dst]
    h = x @ W.T
    msg = jnp.take(h, src, axis=0) * norm[:, None]
    out = jnp.zeros_like(h).at[dst].add(msg)
    return out + b


def reference(x, edge_index, aW, ab, a1W, a1b, a2W, a2b, a3W, a3b, cW, cb, c1W, c1b, c2W, c2b, c3W, c3b):
    # GNNActor
    out = jax.nn.relu(gcn_conv(x, edge_index, aW, ab))
    h = out + x
    h = jax.nn.relu(h @ a1W.T + a1b)
    h = jax.nn.relu(h @ a2W.T + a2b)
    a_out = h @ a3W.T + a3b
    concentration = jax.nn.softplus(a_out).reshape(-1) + 1e-20
    # GNNCritic
    outc = jax.nn.relu(gcn_conv(x, edge_index, cW, cb))
    hc = outc + x
    hc = jnp.sum(hc, axis=0)
    hc = jax.nn.relu(hc @ c1W.T + c1b)
    hc = jax.nn.relu(hc @ c2W.T + c2b)
    value = hc @ c3W.T + c3b
    return (concentration, value)

if __name__ == "__main__":
    import jax
    _d = setup_inputs()
    print(jax.jit(kernel)(*tuple(_d.values())))

</pallas_src>

<mosaic_0001>
#map = affine_map<(d0, d1) -> (0, 0, 0)>
module attributes {stable_mosaic.version = 14 : i64} {
  func.func @_deg_body(%arg0: i32, %arg1: i32, %arg2: memref<32x125x80xi32, #tpu.memory_space<hbm>>, %arg3: memref<2x1x10240xf32, #tpu.memory_space<hbm>>, %arg4: memref<125x80xi32, #tpu.memory_space<vmem>>, %arg5: memref<80xf32, #tpu.memory_space<vmem>>, %arg6: memref<640xf32, #tpu.memory_space<vmem>>, %arg7: memref<10240xf32, #tpu.memory_space<vmem_shared>>) attributes {dimension_semantics = [#tpu.dimension_semantics<core_parallel>, #tpu.dimension_semantics<subcore_parallel>], iteration_bounds = array<i64: 2, 16>, scalar_prefetch = 0 : i64, scratch_operands = 4 : i64, tpu.core_type = #tpu.core_type<sc_vector_subcore>, window_params = [{transform_indices = #map}, {transform_indices = #map}]} {
    %broadcast_in_dim3A = arith.constant 1.000000e+00 : f32
    %broadcast_in_dim3A_0 = vector.broadcast %broadcast_in_dim3A : f32 to vector<16xf32>
    %swap3A = arith.constant 0 : index
    %swap3A_1 = tpu.vector_load %arg5[%swap3A] {strides = array<i32>} : memref<80xf32, #tpu.memory_space<vmem>>, vector<16xf32>,
    %swap3A_2 = vector.shape_cast %swap3A_1 : vector<16xf32> to vector<16xf32>
    %swap3A_3 = vector.shape_cast %broadcast_in_dim3A_0 : vector<16xf32> to vector<16xf32>
    tpu.vector_store %arg5[%swap3A], %swap3A_3 {strides = array<i32>} : memref<80xf32, #tpu.memory_space<vmem>>, vector<16xf32>,
    %broadcast_in_dim3A_4 = arith.constant 1.000000e+00 : f32
    %broadcast_in_dim3A_5 = vector.broadcast %broadcast_in_dim3A_4 : f32 to vector<16xf32>
    %swap3A_6 = arith.constant 16 : index
    %swap3A_7 = tpu.vector_load %arg5[%swap3A_6] {strides = array<i32>} : memref<80xf32, #tpu.memory_space<vmem>>, vector<16xf32>,
    %swap3A_8 = vector.shape_cast %swap3A_7 : vector<16xf32> to vector<16xf32>
    %swap3A_9 = vector.shape_cast %broadcast_in_dim3A_5 : vector<16xf32> to vector<16xf32>
    tpu.vector_store %arg5[%swap3A_6], %swap3A_9 {strides = array<i32>} : memref<80xf32, #tpu.memory_space<vmem>>, vector<16xf32>,
    %broadcast_in_dim3A_10 = arith.constant 1.000000e+00 : f32
    %broadcast_in_dim3A_11 = vector.broadcast %broadcast_in_dim3A_10 : f32 to vector<16xf32>
    %swap3A_12 = arith.constant 32 : index
    %swap3A_13 = tpu.vector_load %arg5[%swap3A_12] {strides = array<i32>} : memref<80xf32, #tpu.memory_space<vmem>>, vector<16xf32>,
    %swap3A_14 = vector.shape_cast %swap3A_13 : vector<16xf32> to vector<16xf32>
    %swap3A_15 = vector.shape_cast %broadcast_in_dim3A_11 : vector<16xf32> to vector<16xf32>
    tpu.vector_store %arg5[%swap3A_12], %swap3A_15 {strides = array<i32>} : memref<80xf32, #tpu.memory_space<vmem>>, vector<16xf32>,
    %broadcast_in_dim3A_16 = arith.constant 1.000000e+00 : f32
    %broadcast_in_dim3A_17 = vector.broadcast %broadcast_in_dim3A_16 : f32 to vector<16xf32>
    %swap3A_18 = arith.constant 48 : index
    %swap3A_19 = tpu.vector_load %arg5[%swap3A_18] {strides = array<i32>} : memref<80xf32, #tpu.memory_space<vmem>>, vector<16xf32>,
    %swap3A_20 = vector.shape_cast %swap3A_19 : vector<16xf32> to vector<16xf32>
    %swap3A_21 = vector.shape_cast %broadcast_in_dim3A_17 : vector<16xf32> to vector<16xf32>
    tpu.vector_store %arg5[%swap3A_18], %swap3A_21 {strides = array<i32>} : memref<80xf32, #tpu.memory_space<vmem>>, vector<16xf32>,
    %broadcast_in_dim3A_22 = arith.constant 1.000000e+00 : f32
    %broadcast_in_dim3A_23 = vector.broadcast %broadcast_in_dim3A_22 : f32 to vector<16xf32>
    %swap3A_24 = arith.constant 64 : index
    %swap3A_25 = tpu.vector_load %arg5[%swap3A_24] {strides = array<i32>} : memref<80xf32, #tpu.memory_space<vmem>>, vector<16xf32>,
    %swap3A_26 = vector.shape_cast %swap3A_25 : vector<16xf32> to vector<16xf32>
    %swap3A_27 = vector.shape_cast %broadcast_in_dim3A_23 : vector<16xf32> to vector<16xf32>
    tpu.vector_store %arg5[%swap3A_24], %swap3A_27 {strides = array<i32>} : memref<80xf32, #tpu.memory_space<vmem>>, vector<16xf32>,
    %broadcast_in_dim3A_28 = arith.constant 0.000000e+00 : f32
    %broadcast_in_dim3A_29 = vector.broadcast %broadcast_in_dim3A_28 : f32 to vector<16xf32>
    %swap3A_30 = arith.constant 0 : index
    %swap3A_31 = tpu.vector_load %arg6[%swap3A_30] {strides = array<i32>} : memref<640xf32, #tpu.memory_space<vmem>>, vector<16xf32>,
    %swap3A_32 = vector.shape_cast %swap3A_31 : vector<16xf32> to vector<16xf32>
    %swap3A_33 = vector.shape_cast %broadcast_in_dim3A_29 : vector<16xf32> to vector<16xf32>
    tpu.vector_store %arg6[%swap3A_30], %swap3A_33 {strides = array<i32>} : memref<640xf32, #tpu.memory_space<vmem>>, vector<16xf32>,
    %broadcast_in_dim3A_34 = arith.constant 0.000000e+00 : f32
    %broadcast_in_dim3A_35 = vector.broadcast %broadcast_in_dim3A_34 : f32 to vector<16xf32>
    %swap3A_36 = arith.constant 16 : index
    %swap3A_37 = tpu.vector_load %arg6[%swap3A_36] {strides = array<i32>} : memref<640xf32, #tpu.memory_space<vmem>>, vector<16xf32>,
    %swap3A_38 = vector.shape_cast %swap3A_37 : vector<16xf32> to vector<16xf32>
    %swap3A_39 = vector.shape_cast %broadcast_in_dim3A_35 : vector<16xf32> to vector<16xf32>
    tpu.vector_store %arg6[%swap3A_36], %swap3A_39 {strides = array<i32>} : memref<640xf32, #tpu.memory_space<vmem>>, vector<16xf32>,
    %broadcast_in_dim3A_40 = arith.constant 0.000000e+00 : f32
    %broadcast_in_dim3A_41 = vector.broadcast %broadcast_in_dim3A_40 : f32 to vector<16xf32>
    %swap3A_42 = arith.constant 32 : index
    %swap3A_43 = tpu.vector_load %arg6[%swap3A_42] {strides = array<i32>} : memref<640xf32, #tpu.memory_space<vmem>>, vector<16xf32>,
    %swap3A_44 = vector.shape_cast %swap3A_43 : vector<16xf32> to vector<16xf32>
    %swap3A_45 = vector.shape_cast %broadcast_in_dim3A_41 : vector<16xf32> to vector<16xf32>
    tpu.vector_store %arg6[%swap3A_42], %swap3A_45 {strides = array<i32>} : memref<640xf32, #tpu.memory_space<vmem>>, vector<16xf32>,
    %broadcast_in_dim3A_46 = arith.constant 0.000000e+00 : f32
    %broadcast_in_dim3A_47 = vector.broadcast %broadcast_in_dim3A_46 : f32 to vector<16xf32>
    %swap3A_48 = arith.constant 48 : index
    %swap3A_49 = tpu.vector_load %arg6[%swap3A_48] {strides = array<i32>} : memref<640xf32, #tpu.memory_space<vmem>>, vector<16xf32>,
    %swap3A_50 = vector.shape_cast %swap3A_49 : vector<16xf32> to vector<16xf32>
    %swap3A_51 = vector.shape_cast %broadcast_in_dim3A_47 : vector<16xf32> to vector<16xf32>
    tpu.vector_store %arg6[%swap3A_48], %swap3A_51 {strides = array<i32>} : memref<640xf32, #tpu.memory_space<vmem>>, vector<16xf32>,
    %broadcast_in_dim3A_52 = arith.constant 0.000000e+00 : f32
    %broadcast_in_dim3A_53 = vector.broadcast %broadcast_in_dim3A_52 : f32 to vector<16xf32>
    %swap3A_54 = arith.constant 64 : index
    %swap3A_55 = tpu.vector_load %arg6[%swap3A_54] {strides = array<i32>} : memref<640xf32, #tpu.memory_space<vmem>>, vector<16xf32>,
    %swap3A_56 = vector.shape_cast %swap3A_55 : vector<16xf32> to vector<16xf32>
    %swap3A_57 = vector.shape_cast %broadcast_in_dim3A_53 : vector<16xf32> to vector<16xf32>
    tpu.vector_store %arg6[%swap3A_54], %swap3A_57 {strides = array<i32>} : memref<640xf32, #tpu.memory_space<vmem>>, vector<16xf32>,
    %broadcast_in_dim3A_58 = arith.constant 0.000000e+00 : f32
    %broadcast_in_dim3A_59 = vector.broadcast %broadcast_in_dim3A_58 : f32 to vector<16xf32>
    %swap3A_60 = arith.constant 80 : index
    %swap3A_61 = tpu.vector_load %arg6[%swap3A_60] {strides = array<i32>} : memref<640xf32, #tpu.memory_space<vmem>>, vector<16xf32>,
    %swap3A_62 = vector.shape_cast %swap3A_61 : vector<16xf32> to vector<16xf32>
    %swap3A_63 = vector.shape_cast %broadcast_in_dim3A_59 : vector<16xf32> to vector<16xf32>
    tpu.vector_store %arg6[%swap3A_60], %swap3A_63 {strides = array<i32>} : memref<640xf32, #tpu.memory_space<vmem>>, vector<16xf32>,
    %broadcast_in_dim3A_64 = arith.constant 0.000000e+00 : f32
    %broadcast_in_dim3A_65 = vector.broadcast %broadcast_in_dim3A_64 : f32 to vector<16xf32>
    %swap3A_66 = arith.constant 96 : index
    %swap3A_67 = tpu.vector_load %arg6[%swap3A_66] {strides = array<i32>} : memref<640xf32, #tpu.memory_space<vmem>>, vector<16xf32>,
    %swap3A_68 = vector.shape_cast %swap3A_67 : vector<16xf32> to vector<16xf32>
    %swap3A_69 = vector.shape_cast %broadcast_in_dim3A_65 : vector<16xf32> to vector<16xf32>
    tpu.vector_store %arg6[%swap3A_66], %swap3A_69 {strides = array<i32>} : memref<640xf32, #tpu.memory_space<vmem>>, vector<16xf32>,
    %broadcast_in_dim3A_70 = arith.constant 0.000000e+00 : f32
    %broadcast_in_dim3A_71 = vector.broadcast %broadcast_in_dim3A_70 : f32 to vector<16xf32>
    %swap3A_72 = arith.constant 112 : index
    %swap3A_73 = tpu.vector_load %arg6[%swap3A_72] {strides = array<i32>} : memref<640xf32, #tpu.memory_space<vmem>>, vector<16xf32>,
    %swap3A_74 = vector.shape_cast %swap3A_73 : vector<16xf32> to vector<16xf32>
    %swap3A_75 = vector.shape_cast %broadcast_in_dim3A_71 : vector<16xf32> to vector<16xf32>
    tpu.vector_store %arg6[%swap3A_72], %swap3A_75 {strides = array<i32>} : memref<640xf32, #tpu.memory_space<vmem>>, vector<16xf32>,
    %broadcast_in_dim3A_76 = arith.constant 0.000000e+00 : f32
    %broadcast_in_dim3A_77 = vector.broadcast %broadcast_in_dim3A_76 : f32 to vector<16xf32>
    %swap3A_78 = arith.constant 128 : index
    %swap3A_79 = tpu.vector_load %arg6[%swap3A_78] {strides = array<i32>} : memref<640xf32, #tpu.memory_space<vmem>>, vector<16xf32>,
    %swap3A_80 = vector.shape_cast %swap3A_79 : vector<16xf32> to vector<16xf32>
    %swap3A_81 = vector.shape_cast %broadcast_in_dim3A_77 : vector<16xf32> to vector<16xf32>
    tpu.vector_store %arg6[%swap3A_78], %swap3A_81 {strides = array<i32>} : memref<640xf32, #tpu.memory_space<vmem>>, vector<16xf32>,
    %broadcast_in_dim3A_82 = arith.constant 0.000000e+00 : f32
    %broadcast_in_dim3A_83 = vector.broadcast %broadcast_in_dim3A_82 : f32 to vector<16xf32>
    %swap3A_84 = arith.constant 144 : index
    %swap3A_85 = tpu.vector_load %arg6[%swap3A_84] {strides = array<i32>} : memref<640xf32, #tpu.memory_space<vmem>>, vector<16xf32>,
    %swap3A_86 = vector.shape_cast %swap3A_85 : vector<16xf32> to vector<16xf32>
    %swap3A_87 = vector.shape_cast %broadcast_in_dim3A_83 : vector<16xf32> to vector<16xf32>
    tpu.vector_store %arg6[%swap3A_84], %swap3A_87 {strides = array<i32>} : memref<640xf32, #tpu.memory_space<vmem>>, vector<16xf32>,
    %broadcast_in_dim3A_88 = arith.constant 0.000000e+00 : f32
    %broadcast_in_dim3A_89 = vector.broadcast %broadcast_in_dim3A_88 : f32 to vector<16xf32>
    %swap3A_90 = arith.constant 160 : index
    %swap3A_91 = tpu.vector_load %arg6[%swap3A_90] {strides = array<i32>} : memref<640xf32, #tpu.memory_space<vmem>>, vector<16xf32>,
    %swap3A_92 = vector.shape_cast %swap3A_91 : vector<16xf32> to vector<16xf32>
    %swap3A_93 = vector.shape_cast %broadcast_in_dim3A_89 : vector<16xf32> to vector<16xf32>
    tpu.vector_store %arg6[%swap3A_90], %swap3A_93 {strides = array<i32>} : memref<640xf32, #tpu.memory_space<vmem>>, vector<16xf32>,
    %broadcast_in_dim3A_94 = arith.constant 0.000000e+00 : f32
    %broadcast_in_dim3A_95 = vector.broadcast %broadcast_in_dim3A_94 : f32 to vector<16xf32>
    %swap3A_96 = arith.constant 176 : index
    %swap3A_97 = tpu.vector_load %arg6[%swap3A_96] {strides = array<i32>} : memref<640xf32, #tpu.memory_space<vmem>>, vector<16xf32>,
    %swap3A_98 = vector.shape_cast %swap3A_97 : vector<16xf32> to vector<16xf32>
    %swap3A_99 = vector.shape_cast %broadcast_in_dim3A_95 : vector<16xf32> to vector<16xf32>
    tpu.vector_store %arg6[%swap3A_96], %swap3A_99 {strides = array<i32>} : memref<640xf32, #tpu.memory_space<vmem>>, vector<16xf32>,
    %broadcast_in_dim3A_100 = arith.constant 0.000000e+00 : f32
    %broadcast_in_dim3A_101 = vector.broadcast %broadcast_in_dim3A_100 : f32 to vector<16xf32>
    %swap3A_102 = arith.constant 192 : index
    %swap3A_103 = tpu.vector_load %arg6[%swap3A_102] {strides = array<i32>} : memref<640xf32, #tpu.memory_space<vmem>>, vector<16xf32>,
    %swap3A_104 = vector.shape_cast %swap3A_103 : vector<16xf32> to vector<16xf32>
    %swap3A_105 = vector.shape_cast %broadcast_in_dim3A_101 : vector<16xf32> to vector<16xf32>
    tpu.vector_store %arg6[%swap3A_102], %swap3A_105 {strides = array<i32>} : memref<640xf32, #tpu.memory_space<vmem>>, vector<16xf32>,
    %broadcast_in_dim3A_106 = arith.constant 0.000000e+00 : f32
    %broadcast_in_dim3A_107 = vector.broadcast %broadcast_in_dim3A_106 : f32 to vector<16xf32>
    %swap3A_108 = arith.constant 208 : index
    %swap3A_109 = tpu.vector_load %arg6[%swap3A_108] {strides = array<i32>} : memref<640xf32, #tpu.memory_space<vmem>>, vector<16xf32>,
    %swap3A_110 = vector.shape_cast %swap3A_109 : vector<16xf32> to vector<16xf32>
    %swap3A_111 = vector.shape_cast %broadcast_in_dim3A_107 : vector<16xf32> to vector<16xf32>
    tpu.vector_store %arg6[%swap3A_108], %swap3A_111 {strides = array<i32>} : memref<640xf32, #tpu.memory_space<vmem>>, vector<16xf32>,
    %broadcast_in_dim3A_112 = arith.constant 0.000000e+00 : f32
    %broadcast_in_dim3A_113 = vector.broadcast %broadcast_in_dim3A_112 : f32 to vector<16xf32>
    %swap3A_114 = arith.constant 224 : index
    %swap3A_115 = tpu.vector_load %arg6[%swap3A_114] {strides = array<i32>} : memref<640xf32, #tpu.memory_space<vmem>>, vector<16xf32>,
    %swap3A_116 = vector.shape_cast %swap3A_115 : vector<16xf32> to vector<16xf32>
    %swap3A_117 = vector.shape_cast %broadcast_in_dim3A_113 : vector<16xf32> to vector<16xf32>
    tpu.vector_store %arg6[%swap3A_114], %swap3A_117 {strides = array<i32>} : memref<640xf32, #tpu.memory_space<vmem>>, vector<16xf32>,
    %broadcast_in_dim3A_118 = arith.constant 0.000000e+00 : f32
    %broadcast_in_dim3A_119 = vector.broadcast %broadcast_in_dim3A_118 : f32 to vector<16xf32>
    %swap3A_120 = arith.constant 240 : index
    %swap3A_121 = tpu.vector_load %arg6[%swap3A_120] {strides = array<i32>} : memref<640xf32, #tpu.memory_space<vmem>>, vector<16xf32>,
    %swap3A_122 = vector.shape_cast %swap3A_121 : vector<16xf32> to vector<16xf32>
    %swap3A_123 = vector.shape_cast %broadcast_in_dim3A_119 : vector<16xf32> to vector<16xf32>
    tpu.vector_store %arg6[%swap3A_120], %swap3A_123 {strides = array<i32>} : memref<640xf32, #tpu.memory_space<vmem>>, vector<16xf32>,
    %broadcast_in_dim3A_124 = arith.constant 0.000000e+00 : f32
    %broadcast_in_dim3A_125 = vector.broadcast %broadcast_in_dim3A_124 : f32 to vector<16xf32>
    %swap3A_126 = arith.constant 256 : index
    %swap3A_127 = tpu.vector_load %arg6[%swap3A_126] {strides = array<i32>} : memref<640xf32, #tpu.memory_space<vmem>>, vector<16xf32>,
    %swap3A_128 = vector.shape_cast %swap3A_127 : vector<16xf32> to vector<16xf32>
    %swap3A_129 = vector.shape_cast %broadcast_in_dim3A_125 : vector<16xf32> to vector<16xf32>
    tpu.vector_store %arg6[%swap3A_126], %swap3A_129 {strides = array<i32>} : memref<640xf32, #tpu.memory_space<vmem>>, vector<16xf32>,
    %broadcast_in_dim3A_130 = arith.constant 0.000000e+00 : f32
    %broadcast_in_dim3A_131 = vector.broadcast %broadcast_in_dim3A_130 : f32 to vector<16xf32>
    %swap3A_132 = arith.constant 272 : index
    %swap3A_133 = tpu.vector_load %arg6[%swap3A_132] {strides = array<i32>} : memref<640xf32, #tpu.memory_space<vmem>>, vector<16xf32>,
    %swap3A_134 = vector.shape_cast %swap3A_133 : vector<16xf32> to vector<16xf32>
    %swap3A_135 = vector.shape_cast %broadcast_in_dim3A_131 : vector<16xf32> to vector<16xf32>
    tpu.vector_store %arg6[%swap3A_132], %swap3A_135 {strides = array<i32>} : memref<640xf32, #tpu.memory_space<vmem>>, vector<16xf32>,
    %broadcast_in_dim3A_136 = arith.constant 0.000000e+00 : f32
    %broadcast_in_dim3A_137 = vector.broadcast %broadcast_in_dim3A_136 : f32 to vector<16xf32>
    %swap3A_138 = arith.constant 288 : index
    %swap3A_139 = tpu.vector_load %arg6[%swap3A_138] {strides = array<i32>} : memref<640xf32, #tpu.memory_space<vmem>>, vector<16xf32>,
    %swap3A_140 = vector.shape_cast %swap3A_139 : vector<16xf32> to vector<16xf32>
    %swap3A_141 = vector.shape_cast %broadcast_in_dim3A_137 : vector<16xf32> to vector<16xf32>
    tpu.vector_store %arg6[%swap3A_138], %swap3A_141 {strides = array<i32>} : memref<640xf32, #tpu.memory_space<vmem>>, vector<16xf32>,
    %broadcast_in_dim3A_142 = arith.constant 0.000000e+00 : f32
    %broadcast_in_dim3A_143 = vector.broadcast %broadcast_in_dim3A_142 : f32 to vector<16xf32>
    %swap3A_144 = arith.constant 304 : index
    %swap3A_145 = tpu.vector_load %arg6[%swap3A_144] {strides = array<i32>} : memref<640xf32, #tpu.memory_space<vmem>>, vector<16xf32>,
    %swap3A_146 = vector.shape_cast %swap3A_145 : vector<16xf32> to vector<16xf32>
    %swap3A_147 = vector.shape_cast %broadcast_in_dim3A_143 : vector<16xf32> to vector<16xf32>
    tpu.vector_store %arg6[%swap3A_144], %swap3A_147 {strides = array<i32>} : memref<640xf32, #tpu.memory_space<vmem>>, vector<16xf32>,
    %broadcast_in_dim3A_148 = arith.constant 0.000000e+00 : f32
    %broadcast_in_dim3A_149 = vector.broadcast %broadcast_in_dim3A_148 : f32 to vector<16xf32>
    %swap3A_150 = arith.constant 320 : index
    %swap3A_151 = tpu.vector_load %arg6[%swap3A_150] {strides = array<i32>} : memref<640xf32, #tpu.memory_space<vmem>>, vector<16xf32>,
    %swap3A_152 = vector.shape_cast %swap3A_151 : vector<16xf32> to vector<16xf32>
    %swap3A_153 = vector.shape_cast %broadcast_in_dim3A_149 : vector<16xf32> to vector<16xf32>
    tpu.vector_store %arg6[%swap3A_150], %swap3A_153 {strides = array<i32>} : memref<640xf32, #tpu.memory_space<vmem>>, vector<16xf32>,
    %broadcast_in_dim3A_154 = arith.constant 0.000000e+00 : f32
    %broadcast_in_dim3A_155 = vector.broadcast %broadcast_in_dim3A_154 : f32 to vector<16xf32>
    %swap3A_156 = arith.constant 336 : index
    %swap3A_157 = tpu.vector_load %arg6[%swap3A_156] {strides = array<i32>} : memref<640xf32, #tpu.memory_space<vmem>>, vector<16xf32>,
    %swap3A_158 = vector.shape_cast %swap3A_157 : vector<16xf32> to vector<16xf32>
    %swap3A_159 = vector.shape_cast %broadcast_in_dim3A_155 : vector<16xf32> to vector<16xf32>
    tpu.vector_store %arg6[%swap3A_156], %swap3A_159 {strides = array<i32>} : memref<640xf32, #tpu.memory_space<vmem>>, vector<16xf32>,
    %broadcast_in_dim3A_160 = arith.constant 0.000000e+00 : f32
    %broadcast_in_dim3A_161 = vector.broadcast %broadcast_in_dim3A_160 : f32 to vector<16xf32>
    %swap3A_162 = arith.constant 352 : index
    %swap3A_163 = tpu.vector_load %arg6[%swap3A_162] {strides = array<i32>} : memref<640xf32, #tpu.memory_space<vmem>>, vector<16xf32>,
    %swap3A_164 = vector.shape_cast %swap3A_163 : vector<16xf32> to vector<16xf32>
    %swap3A_165 = vector.shape_cast %broadcast_in_dim3A_161 : vector<16xf32> to vector<16xf32>
    tpu.vector_store %arg6[%swap3A_162], %swap3A_165 {strides = array<i32>} : memref<640xf32, #tpu.memory_space<vmem>>, vector<16xf32>,
    %broadcast_in_dim3A_166 = arith.constant 0.000000e+00 : f32
    %broadcast_in_dim3A_167 = vector.broadcast %broadcast_in_dim3A_166 : f32 to vector<16xf32>
    %swap3A_168 = arith.constant 368 : index
    %swap3A_169 = tpu.vector_load %arg6[%swap3A_168] {strides = array<i32>} : memref<640xf32, #tpu.memory_space<vmem>>, vector<16xf32>,
    %swap3A_170 = vector.shape_cast %swap3A_169 : vector<16xf32> to vector<16xf32>
    %swap3A_171 = vector.shape_cast %broadcast_in_dim3A_167 : vector<16xf32> to vector<16xf32>
    tpu.vector_store %arg6[%swap3A_168], %swap3A_171 {strides = array<i32>} : memref<640xf32, #tpu.memory_space<vmem>>, vector<16xf32>,
    %broadcast_in_dim3A_172 = arith.constant 0.000000e+00 : f32
    %broadcast_in_dim3A_173 = vector.broadcast %broadcast_in_dim3A_172 : f32 to vector<16xf32>
    %swap3A_174 = arith.constant 384 : index
    %swap3A_175 = tpu.vector_load %arg6[%swap3A_174] {strides = array<i32>} : memref<640xf32, #tpu.memory_space<vmem>>, vector<16xf32>,
    %swap3A_176 = vector.shape_cast %swap3A_175 : vector<16xf32> to vector<16xf32>
    %swap3A_177 = vector.shape_cast %broadcast_in_dim3A_173 : vector<16xf32> to vector<16xf32>
    tpu.vector_store %arg6[%swap3A_174], %swap3A_177 {strides = array<i32>} : memref<640xf32, #tpu.memory_space<vmem>>, vector<16xf32>,
    %broadcast_in_dim3A_178 = arith.constant 0.000000e+00 : f32
    %broadcast_in_dim3A_179 = vector.broadcast %broadcast_in_dim3A_178 : f32 to vector<16xf32>
    %swap3A_180 = arith.constant 400 : index
    %swap3A_181 = tpu.vector_load %arg6[%swap3A_180] {strides = array<i32>} : memref<640xf32, #tpu.memory_space<vmem>>, vector<16xf32>,
    %swap3A_182 = vector.shape_cast %swap3A_181 : vector<16xf32> to vector<16xf32>
    %swap3A_183 = vector.shape_cast %broadcast_in_dim3A_179 : vector<16xf32> to vector<16xf32>
    tpu.vector_store %arg6[%swap3A_180], %swap3A_183 {strides = array<i32>} : memref<640xf32, #tpu.memory_space<vmem>>, vector<16xf32>,
    %broadcast_in_dim3A_184 = arith.constant 0.000000e+00 : f32
    %broadcast_in_dim3A_185 = vector.broadcast %broadcast_in_dim3A_184 : f32 to vector<16xf32>
    %swap3A_186 = arith.constant 416 : index
    %swap3A_187 = tpu.vector_load %arg6[%swap3A_186] {strides = array<i32>} : memref<640xf32, #tpu.memory_space<vmem>>, vector<16xf32>,
    %swap3A_188 = vector.shape_cast %swap3A_187 : vector<16xf32> to vector<16xf32>
    %swap3A_189 = vector.shape_cast %broadcast_in_dim3A_185 : vector<16xf32> to vector<16xf32>
    tpu.vector_store %arg6[%swap3A_186], %swap3A_189 {strides = array<i32>} : memref<640xf32, #tpu.memory_space<vmem>>, vector<16xf32>,
    %broadcast_in_dim3A_190 = arith.constant 0.000000e+00 : f32
    %broadcast_in_dim3A_191 = vector.broadcast %broadcast_in_dim3A_190 : f32 to vector<16xf32>
    %swap3A_192 = arith.constant 432 : index
    %swap3A_193 = tpu.vector_load %arg6[%swap3A_192] {strides = array<i32>} : memref<640xf32, #tpu.memory_space<vmem>>, vector<16xf32>,
    %swap3A_194 = vector.shape_cast %swap3A_193 : vector<16xf32> to vector<16xf32>
    %swap3A_195 = vector.shape_cast %broadcast_in_dim3A_191 : vector<16xf32> to vector<16xf32>
    tpu.vector_store %arg6[%swap3A_192], %swap3A_195 {strides = array<i32>} : memref<640xf32, #tpu.memory_space<vmem>>, vector<16xf32>,
    %broadcast_in_dim3A_196 = arith.constant 0.000000e+00 : f32
    %broadcast_in_dim3A_197 = vector.broadcast %broadcast_in_dim3A_196 : f32 to vector<16xf32>
    %swap3A_198 = arith.constant 448 : index
    %swap3A_199 = tpu.vector_load %arg6[%swap3A_198] {strides = array<i32>} : memref<640xf32, #tpu.memory_space<vmem>>, vector<16xf32>,
    %swap3A_200 = vector.shape_cast %swap3A_199 : vector<16xf32> to vector<16xf32>
    %swap3A_201 = vector.shape_cast %broadcast_in_dim3A_197 : vector<16xf32> to vector<16xf32>
    tpu.vector_store %arg6[%swap3A_198], %swap3A_201 {strides = array<i32>} : memref<640xf32, #tpu.memory_space<vmem>>, vector<16xf32>,
    %broadcast_in_dim3A_202 = arith.constant 0.000000e+00 : f32
    %broadcast_in_dim3A_203 = vector.broadcast %broadcast_in_dim3A_202 : f32 to vector<16xf32>
    %swap3A_204 = arith.constant 464 : index
    %swap3A_205 = tpu.vector_load %arg6[%swap3A_204] {strides = array<i32>} : memref<640xf32, #tpu.memory_space<vmem>>, vector<16xf32>,
    %swap3A_206 = vector.shape_cast %swap3A_205 : vector<16xf32> to vector<16xf32>
    %swap3A_207 = vector.shape_cast %broadcast_in_dim3A_203 : vector<16xf32> to vector<16xf32>
    tpu.vector_store %arg6[%swap3A_204], %swap3A_207 {strides = array<i32>} : memref<640xf32, #tpu.memory_space<vmem>>, vector<16xf32>,
    %broadcast_in_dim3A_208 = arith.constant 0.000000e+00 : f32
    %broadcast_in_dim3A_209 = vector.broadcast %broadcast_in_dim3A_208 : f32 to vector<16xf32>
    %swap3A_210 = arith.constant 480 : index
    %swap3A_211 = tpu.vector_load %arg6[%swap3A_210] {strides = array<i32>} : memref<640xf32, #tpu.memory_space<vmem>>, vector<16xf32>,
    %swap3A_212 = vector.shape_cast %swap3A_211 : vector<16xf32> to vector<16xf32>
    %swap3A_213 = vector.shape_cast %broadcast_in_dim3A_209 : vector<16xf32> to vector<16xf32>
    tpu.vector_store %arg6[%swap3A_210], %swap3A_213 {strides = array<i32>} : memref<640xf32, #tpu.memory_space<vmem>>, vector<16xf32>,
    %broadcast_in_dim3A_214 = arith.constant 0.000000e+00 : f32
    %broadcast_in_dim3A_215 = vector.broadcast %broadcast_in_dim3A_214 : f32 to vector<16xf32>
    %swap3A_216 = arith.constant 496 : index
    %swap3A_217 = tpu.vector_load %arg6[%swap3A_216] {strides = array<i32>} : memref<640xf32, #tpu.memory_space<vmem>>, vector<16xf32>,
    %swap3A_218 = vector.shape_cast %swap3A_217 : vector<16xf32> to vector<16xf32>
    %swap3A_219 = vector.shape_cast %broadcast_in_dim3A_215 : vector<16xf32> to vector<16xf32>
    tpu.vector_store %arg6[%swap3A_216], %swap3A_219 {strides = array<i32>} : memref<640xf32, #tpu.memory_space<vmem>>, vector<16xf32>,
    %broadcast_in_dim3A_220 = arith.constant 0.000000e+00 : f32
    %broadcast_in_dim3A_221 = vector.broadcast %broadcast_in_dim3A_220 : f32 to vector<16xf32>
    %swap3A_222 = arith.constant 512 : index
    %swap3A_223 = tpu.vector_load %arg6[%swap3A_222] {strides = array<i32>} : memref<640xf32, #tpu.memory_space<vmem>>, vector<16xf32>,
    %swap3A_224 = vector.shape_cast %swap3A_223 : vector<16xf32> to vector<16xf32>
    %swap3A_225 = vector.shape_cast %broadcast_in_dim3A_221 : vector<16xf32> to vector<16xf32>
    tpu.vector_store %arg6[%swap3A_222], %swap3A_225 {strides = array<i32>} : memref<640xf32, #tpu.memory_space<vmem>>, vector<16xf32>,
    %broadcast_in_dim3A_226 = arith.constant 0.000000e+00 : f32
    %broadcast_in_dim3A_227 = vector.broadcast %broadcast_in_dim3A_226 : f32 to vector<16xf32>
    %swap3A_228 = arith.constant 528 : index
    %swap3A_229 = tpu.vector_load %arg6[%swap3A_228] {strides = array<i32>} : memref<640xf32, #tpu.memory_space<vmem>>, vector<16xf32>,
    %swap3A_230 = vector.shape_cast %swap3A_229 : vector<16xf32> to vector<16xf32>
    %swap3A_231 = vector.shape_cast %broadcast_in_dim3A_227 : vector<16xf32> to vector<16xf32>
    tpu.vector_store %arg6[%swap3A_228], %swap3A_231 {strides = array<i32>} : memref<640xf32, #tpu.memory_space<vmem>>, vector<16xf32>,
    %broadcast_in_dim3A_232 = arith.constant 0.000000e+00 : f32
    %broadcast_in_dim3A_233 = vector.broadcast %broadcast_in_dim3A_232 : f32 to vector<16xf32>
    %swap3A_234 = arith.constant 544 : index
    %swap3A_235 = tpu.vector_load %arg6[%swap3A_234] {strides = array<i32>} : memref<640xf32, #tpu.memory_space<vmem>>, vector<16xf32>,
    %swap3A_236 = vector.shape_cast %swap3A_235 : vector<16xf32> to vector<16xf32>
    %swap3A_237 = vector.shape_cast %broadcast_in_dim3A_233 : vector<16xf32> to vector<16xf32>
    tpu.vector_store %arg6[%swap3A_234], %swap3A_237 {strides = array<i32>} : memref<640xf32, #tpu.memory_space<vmem>>, vector<16xf32>,
    %broadcast_in_dim3A_238 = arith.constant 0.000000e+00 : f32
    %broadcast_in_dim3A_239 = vector.broadcast %broadcast_in_dim3A_238 : f32 to vector<16xf32>
    %swap3A_240 = arith.constant 560 : index
    %swap3A_241 = tpu.vector_load %arg6[%swap3A_240] {strides = array<i32>} : memref<640xf32, #tpu.memory_space<vmem>>, vector<16xf32>,
    %swap3A_242 = vector.shape_cast %swap3A_241 : vector<16xf32> to vector<16xf32>
    %swap3A_243 = vector.shape_cast %broadcast_in_dim3A_239 : vector<16xf32> to vector<16xf32>
    tpu.vector_store %arg6[%swap3A_240], %swap3A_243 {strides = array<i32>} : memref<640xf32, #tpu.memory_space<vmem>>, vector<16xf32>,
    %broadcast_in_dim3A_244 = arith.constant 0.000000e+00 : f32
    %broadcast_in_dim3A_245 = vector.broadcast %broadcast_in_dim3A_244 : f32 to vector<16xf32>
    %swap3A_246 = arith.constant 576 : index
    %swap3A_247 = tpu.vector_load %arg6[%swap3A_246] {strides = array<i32>} : memref<640xf32, #tpu.memory_space<vmem>>, vector<16xf32>,
    %swap3A_248 = vector.shape_cast %swap3A_247 : vector<16xf32> to vector<16xf32>
    %swap3A_249 = vector.shape_cast %broadcast_in_dim3A_245 : vector<16xf32> to vector<16xf32>
    tpu.vector_store %arg6[%swap3A_246], %swap3A_249 {strides = array<i32>} : memref<640xf32, #tpu.memory_space<vmem>>, vector<16xf32>,
    %broadcast_in_dim3A_250 = arith.constant 0.000000e+00 : f32
    %broadcast_in_dim3A_251 = vector.broadcast %broadcast_in_dim3A_250 : f32 to vector<16xf32>
    %swap3A_252 = arith.constant 592 : index
    %swap3A_253 = tpu.vector_load %arg6[%swap3A_252] {strides = array<i32>} : memref<640xf32, #tpu.memory_space<vmem>>, vector<16xf32>,
    %swap3A_254 = vector.shape_cast %swap3A_253 : vector<16xf32> to vector<16xf32>
    %swap3A_255 = vector.shape_cast %broadcast_in_dim3A_251 : vector<16xf32> to vector<16xf32>
    tpu.vector_store %arg6[%swap3A_252], %swap3A_255 {strides = array<i32>} : memref<640xf32, #tpu.memory_space<vmem>>, vector<16xf32>,
    %broadcast_in_dim3A_256 = arith.constant 0.000000e+00 : f32
    %broadcast_in_dim3A_257 = vector.broadcast %broadcast_in_dim3A_256 : f32 to vector<16xf32>
    %swap3A_258 = arith.constant 608 : index
    %swap3A_259 = tpu.vector_load %arg6[%swap3A_258] {strides = array<i32>} : memref<640xf32, #tpu.memory_space<vmem>>, vector<16xf32>,
    %swap3A_260 = vector.shape_cast %swap3A_259 : vector<16xf32> to vector<16xf32>
    %swap3A_261 = vector.shape_cast %broadcast_in_dim3A_257 : vector<16xf32> to vector<16xf32>
    tpu.vector_store %arg6[%swap3A_258], %swap3A_261 {strides = array<i32>} : memref<640xf32, #tpu.memory_space<vmem>>, vector<16xf32>,
    %broadcast_in_dim3A_262 = arith.constant 0.000000e+00 : f32
    %broadcast_in_dim3A_263 = vector.broadcast %broadcast_in_dim3A_262 : f32 to vector<16xf32>
    %swap3A_264 = arith.constant 624 : index
    %swap3A_265 = tpu.vector_load %arg6[%swap3A_264] {strides = array<i32>} : memref<640xf32, #tpu.memory_space<vmem>>, vector<16xf32>,
    %swap3A_266 = vector.shape_cast %swap3A_265 : vector<16xf32> to vector<16xf32>
    %swap3A_267 = vector.shape_cast %broadcast_in_dim3A_263 : vector<16xf32> to vector<16xf32>
    tpu.vector_store %arg6[%swap3A_264], %swap3A_267 {strides = array<i32>} : memref<640xf32, #tpu.memory_space<vmem>>, vector<16xf32>,
    %mul3A = arith.constant 640 : i32
    %mul3A_268 = arith.muli %arg1, %mul3A : i32
    "tpu.region"() ({
      %run_scoped3A_276 = tpu.sem_alloc : memref<!tpu.dma_semaphore, #tpu.memory_space<semaphore_mem>>
      %dma_start3A = tpu.memref_slice %arg7[%mul3A_268] : memref<10240xf32, #tpu.memory_space<vmem_shared>> -> memref<640xf32, #tpu.memory_space<vmem_shared>>
      %dma_start3A_277 = tpu.memref_slice %arg7[%mul3A_268] : memref<10240xf32, #tpu.memory_space<vmem_shared>> -> memref<640xf32, #tpu.memory_space<vmem_shared>>
      tpu.enqueue_dma source(%arg6 : memref<640xf32, #tpu.memory_space<vmem>>) target(%dma_start3A_277 : memref<640xf32, #tpu.memory_space<vmem_shared>>) target_semaphore(%run_scoped3A_276 : memref<!tpu.dma_semaphore, #tpu.memory_space<semaphore_mem>>)
      %dma_wait3A = tpu.memref_slice %arg7[%mul3A_268] : memref<10240xf32, #tpu.memory_space<vmem_shared>> -> memref<640xf32, #tpu.memory_space<vmem_shared>>
      %dma_wait3A_278 = tpu.memref_slice %arg7[%mul3A_268] : memref<10240xf32, #tpu.memory_space<vmem_shared>> -> memref<640xf32, #tpu.memory_space<vmem_shared>>
      tpu.wait_dma2 semaphore(%run_scoped3A_276 : memref<!tpu.dma_semaphore, #tpu.memory_space<semaphore_mem>>) src(%arg6 : memref<640xf32, #tpu.memory_space<vmem>>) dst(%dma_wait3A_278 : memref<640xf32, #tpu.memory_space<vmem_shared>>)
      tpu.yield
    }) : () -> ()
    %barrier3A = arith.constant 0 : index
    tpu.barrier barrier_id(%barrier3A)
    %mul3A_269 = arith.constant 16 : i32
    %mul3A_270 = arith.muli %arg0, %mul3A_269 : i32
    %add3A = arith.addi %mul3A_270, %arg1 : i32
    "tpu.region"() ({
      %run_scoped3A_276 = tpu.sem_alloc : memref<!tpu.dma_semaphore, #tpu.memory_space<semaphore_mem>>
      %dma_start3A = arith.constant 0 : i32
      %dma_start3A_277 = arith.constant 0 : i32
      %dma_start3A_278 = tpu.memref_slice %arg2[%add3A, %dma_start3A, %dma_start3A_277] : memref<32x125x80xi32, #tpu.memory_space<hbm>> -> memref<1x125x80xi32, #tpu.memory_space<hbm>>
      %dma_start3A_279 = tpu.memref_squeeze %dma_start3A_278 : memref<1x125x80xi32, #tpu.memory_space<hbm>> -> memref<125x80xi32, #tpu.memory_space<hbm>>
      %dma_start3A_280 = arith.constant 0 : i32
      %dma_start3A_281 = arith.constant 0 : i32
      %dma_start3A_282 = tpu.memref_slice %arg2[%add3A, %dma_start3A_280, %dma_start3A_281] : memref<32x125x80xi32, #tpu.memory_space<hbm>> -> memref<1x125x80xi32, #tpu.memory_space<hbm>>
      %dma_start3A_283 = tpu.memref_squeeze %dma_start3A_282 : memref<1x125x80xi32, #tpu.memory_space<hbm>> -> memref<125x80xi32, #tpu.memory_space<hbm>>
      tpu.enqueue_dma source(%dma_start3A_283 : memref<125x80xi32, #tpu.memory_space<hbm>>) target(%arg4 : memref<125x80xi32, #tpu.memory_space<vmem>>) target_semaphore(%run_scoped3A_276 : memref<!tpu.dma_semaphore, #tpu.memory_space<semaphore_mem>>)
      %dma_wait3A = arith.constant 0 : i32
      %dma_wait3A_284 = arith.constant 0 : i32
      %dma_wait3A_285 = tpu.memref_slice %arg2[%add3A, %dma_wait3A, %dma_wait3A_284] : memref<32x125x80xi32, #tpu.memory_space<hbm>> -> memref<1x125x80xi32, #tpu.memory_space<hbm>>
      %dma_wait3A_286 = tpu.memref_squeeze %dma_wait3A_285 : memref<1x125x80xi32, #tpu.memory_space<hbm>> -> memref<125x80xi32, #tpu.memory_space<hbm>>
      %dma_wait3A_287 = arith.constant 0 : i32
      %dma_wait3A_288 = arith.constant 0 : i32
      %dma_wait3A_289 = tpu.memref_slice %arg2[%add3A, %dma_wait3A_287, %dma_wait3A_288] : memref<32x125x80xi32, #tpu.memory_space<hbm>> -> memref<1x125x80xi32, #tpu.memory_space<hbm>>
      %dma_wait3A_290 = tpu.memref_squeeze %dma_wait3A_289 : memref<1x125x80xi32, #tpu.memory_space<hbm>> -> memref<125x80xi32, #tpu.memory_space<hbm>>
      tpu.wait_dma2 semaphore(%run_scoped3A_276 : memref<!tpu.dma_semaphore, #tpu.memory_space<semaphore_mem>>) src(%dma_wait3A_290 : memref<125x80xi32, #tpu.memory_space<hbm>>) dst(%arg4 : memref<125x80xi32, #tpu.memory_space<vmem>>)
      tpu.yield
    }) : () -> ()
    %scan3A = arith.constant 0 : i32
    %scan3A_271 = arith.constant 125 : i32
    %scan3A_272 = arith.addi %scan3A, %scan3A_271 : i32
    %scan3A_273 = arith.constant 1 : i32
    scf.for %scan3A_276 = %scan3A to %scan3A_272 step %scan3A_273  : i32 {
      %mul3A_277 = arith.constant 1 : i32
      %mul3A_278 = arith.muli %scan3A_276, %mul3A_277 : i32
      %add3A_279 = arith.constant 0 : i32
      %add3A_280 = arith.addi %add3A_279, %mul3A_278 : i32
      "tpu.region"() ({
        %run_scoped3A_281 = tpu.sem_alloc : memref<!tpu.dma_semaphore, #tpu.memory_space<semaphore_mem>>
        %dma_start3A = arith.constant 0 : i32
        %dma_start3A_282 = tpu.memref_slice %arg4[%add3A_280, %dma_start3A] : memref<125x80xi32, #tpu.memory_space<vmem>> -> memref<1x80xi32, #tpu.memory_space<vmem>>
        %dma_start3A_283 = tpu.memref_squeeze %dma_start3A_282 : memref<1x80xi32, #tpu.memory_space<vmem>> -> memref<80xi32, #tpu.memory_space<vmem>>
        %dma_start3A_284 = arith.constant 0 : i32
        %dma_start3A_285 = tpu.memref_slice %arg7[%dma_start3A_284] : memref<10240xf32, #tpu.memory_space<vmem_shared>> -> memref<10240xf32, #tpu.memory_space<vmem_shared>>
        tpu.enqueue_indirect_dma source(%arg5 : memref<80xf32, #tpu.memory_space<vmem>>) target(%dma_start3A_285 : memref<10240xf32, #tpu.memory_space<vmem_shared>>) offsets(%dma_start3A_283 : memref<80xi32, #tpu.memory_space<vmem>>) semaphore(%run_scoped3A_281 : memref<!tpu.dma_semaphore, #tpu.memory_space<semaphore_mem>>) {add = true}
        %dma_wait3A = arith.constant 0 : i32
        %dma_wait3A_286 = tpu.memref_slice %arg4[%add3A_280, %dma_wait3A] : memref<125x80xi32, #tpu.memory_space<vmem>> -> memref<1x80xi32, #tpu.memory_space<vmem>>
        %dma_wait3A_287 = tpu.memref_squeeze %dma_wait3A_286 : memref<1x80xi32, #tpu.memory_space<vmem>> -> memref<80xi32, #tpu.memory_space<vmem>>
        %dma_wait3A_288 = arith.constant 0 : i32
        %dma_wait3A_289 = tpu.memref_slice %arg7[%dma_wait3A_288] : memref<10240xf32, #tpu.memory_space<vmem_shared>> -> memref<10240xf32, #tpu.memory_space<vmem_shared>>
        tpu.wait_indirect_dma semaphore(%run_scoped3A_281 : memref<!tpu.dma_semaphore, #tpu.memory_space<semaphore_mem>>) src(%arg5 : memref<80xf32, #tpu.memory_space<vmem>>) dst(%dma_wait3A_289 : memref<10240xf32, #tpu.memory_space<vmem_shared>>)
        tpu.yield
      }) : () -> ()
    }
    %scan3A_274 = arith.constant 125 : i32
    %barrier3A_275 = arith.constant 0 : index
    tpu.barrier barrier_id(%barrier3A_275)
    %run_scoped3A = arith.constant 0 : i32
    "tpu.region"() ({
      %run_scoped3A_276 = tpu.sem_alloc : memref<!tpu.dma_semaphore, #tpu.memory_space<semaphore_mem>>
      %dma_start3A = tpu.memref_slice %arg3[%arg0, %run_scoped3A, %mul3A_268] : memref<2x1x10240xf32, #tpu.memory_space<hbm>> -> memref<1x1x640xf32, #tpu.memory_space<hbm>>
      %dma_start3A_277 = tpu.memref_squeeze %dma_start3A : memref<1x1x640xf32, #tpu.memory_space<hbm>> -> memref<640xf32, #tpu.memory_space<hbm>>
      %dma_start3A_278 = tpu.memref_slice %arg7[%mul3A_268] : memref<10240xf32, #tpu.memory_space<vmem_shared>> -> memref<640xf32, #tpu.memory_space<vmem_shared>>
      tpu.enqueue_dma source(%dma_start3A_278 : memref<640xf32, #tpu.memory_space<vmem_shared>>) target(%dma_start3A_277 : memref<640xf32, #tpu.memory_space<hbm>>) target_semaphore(%run_scoped3A_276 : memref<!tpu.dma_semaphore, #tpu.memory_space<semaphore_mem>>)
      %dma_wait3A = tpu.memref_slice %arg3[%arg0, %run_scoped3A, %mul3A_268] : memref<2x1x10240xf32, #tpu.memory_space<hbm>> -> memref<1x1x640xf32, #tpu.memory_space<hbm>>
      %dma_wait3A_279 = tpu.memref_squeeze %dma_wait3A : memref<1x1x640xf32, #tpu.memory_space<hbm>> -> memref<640xf32, #tpu.memory_space<hbm>>
      %dma_wait3A_280 = tpu.memref_slice %arg7[%mul3A_268] : memref<10240xf32, #tpu.memory_space<vmem_shared>> -> memref<640xf32, #tpu.memory_space<vmem_shared>>
      tpu.wait_dma2 semaphore(%run_scoped3A_276 : memref<!tpu.dma_semaphore, #tpu.memory_space<semaphore_mem>>) src(%dma_wait3A_280 : memref<640xf32, #tpu.memory_space<vmem_shared>>) dst(%dma_wait3A_279 : memref<640xf32, #tpu.memory_space<hbm>>)
      tpu.yield
    }) : () -> ()
    return
  }
}

#map = affine_map<(d0, d1) -> (0, 0)>
#map1 = affine_map<(d0, d1) -> (0, 0, 0, 0, 0)>
module attributes {stable_mosaic.version = 14 : i64} {
  func.func @_msg_body(%arg0: i32, %arg1: i32, %arg2: memref<10240x128xf32, #tpu.memory_space<hbm>>, %arg3: memref<10240x128xf32, #tpu.memory_space<hbm>>, %arg4: memref<16x25x2x10x80xi32, #tpu.memory_space<hbm>>, %arg5: memref<10240x128xf32, #tpu.memory_space<hbm>>, %arg6: memref<10240x128xf32, #tpu.memory_space<hbm>>, %arg7: memref<2x2x10x80xi32, #tpu.memory_space<vmem>>, %arg8: memref<2x80x128xf32, #tpu.memory_space<vmem>>, %arg9: memref<10112x128xf32, #tpu.memory_space<vmem_shared>>, %arg10: memref<2x!tpu.dma_semaphore, #tpu.memory_space<semaphore_mem>>, %arg11: memref<2x!tpu.dma_semaphore, #tpu.memory_space<semaphore_mem>>) attributes {dimension_semantics = [#tpu.dimension_semantics<core_parallel>, #tpu.dimension_semantics<subcore_parallel>], iteration_bounds = array<i64: 2, 16>, scalar_prefetch = 0 : i64, scratch_operands = 5 : i64, tpu.core_type = #tpu.core_type<sc_vector_subcore>, window_params = [{transform_indices = #map}, {transform_indices = #map}, {transform_indices = #map1}, {transform_indices = #map}, {transform_indices = #map}]} {
    %mul3A = arith.constant 632 : i32
    %mul3A_0 = arith.muli %arg1, %mul3A : i32
    %eq3A = arith.constant 0 : i32
    %eq3A_1 = arith.cmpi eq, %arg0, %eq3A : i32
    %convert_element_type3A = arith.extui %eq3A_1 : i1 to i32
    %cond3A = arith.constant 0 : i32
    %cond3A_2 = arith.cmpi ne, %convert_element_type3A, %cond3A : i32
    scf.if %cond3A_2 {
      "tpu.region"() ({
        %run_scoped3A_48 = tpu.sem_alloc : memref<!tpu.dma_semaphore, #tpu.memory_space<semaphore_mem>>
        %dma_start3A_49 = arith.constant 0 : i32
        %dma_start3A_50 = tpu.memref_slice %arg9[%mul3A_0, %dma_start3A_49] : memref<10112x128xf32, #tpu.memory_space<vmem_shared>> -> memref<632x128xf32, #tpu.memory_space<vmem_shared>>
        %dma_start3A_51 = arith.constant 0 : i32
        %dma_start3A_52 = tpu.memref_slice %arg2[%mul3A_0, %dma_start3A_51] : memref<10240x128xf32, #tpu.memory_space<hbm>> -> memref<632x128xf32, #tpu.memory_space<hbm>>
        tpu.enqueue_dma source(%dma_start3A_52 : memref<632x128xf32, #tpu.memory_space<hbm>>) target(%dma_start3A_50 : memref<632x128xf32, #tpu.memory_space<vmem_shared>>) target_semaphore(%run_scoped3A_48 : memref<!tpu.dma_semaphore, #tpu.memory_space<semaphore_mem>>)
        %dma_wait3A_53 = arith.constant 0 : i32
        %dma_wait3A_54 = tpu.memref_slice %arg9[%mul3A_0, %dma_wait3A_53] : memref<10112x128xf32, #tpu.memory_space<vmem_shared>> -> memref<632x128xf32, #tpu.memory_space<vmem_shared>>
        %dma_wait3A_55 = arith.constant 0 : i32
        %dma_wait3A_56 = tpu.memref_slice %arg2[%mul3A_0, %dma_wait3A_55] : memref<10240x128xf32, #tpu.memory_space<hbm>> -> memref<632x128xf32, #tpu.memory_space<hbm>>
        tpu.wait_dma2 semaphore(%run_scoped3A_48 : memref<!tpu.dma_semaphore, #tpu.memory_space<semaphore_mem>>) src(%dma_wait3A_56 : memref<632x128xf32, #tpu.memory_space<hbm>>) dst(%dma_wait3A_54 : memref<632x128xf32, #tpu.memory_space<vmem_shared>>)
        tpu.yield
      }) : () -> ()
      %barrier3A = arith.constant 0 : index
      tpu.barrier barrier_id(%barrier3A)
      %run_scoped3A = arith.constant 0 : i32
      %run_scoped3A_8 = arith.constant 0 : i32
      "tpu.region"() ({
        %run_scoped3A_48 = tpu.sem_alloc : memref<!tpu.dma_semaphore, #tpu.memory_space<semaphore_mem>>
        %dma_start3A_49 = arith.constant 0 : i32
        %dma_start3A_50 = arith.constant 0 : i32
        %dma_start3A_51 = arith.constant 0 : i32
        %dma_start3A_52 = tpu.memref_slice %arg7[%run_scoped3A_8, %dma_start3A_49, %dma_start3A_50, %dma_start3A_51] : memref<2x2x10x80xi32, #tpu.memory_space<vmem>> -> memref<1x2x10x80xi32, #tpu.memory_space<vmem>>
        %dma_start3A_53 = tpu.memref_squeeze %dma_start3A_52 : memref<1x2x10x80xi32, #tpu.memory_space<vmem>> -> memref<2x10x80xi32, #tpu.memory_space<vmem>>
        %dma_start3A_54 = arith.constant 0 : i32
        %dma_start3A_55 = arith.constant 0 : i32
        %dma_start3A_56 = arith.constant 0 : i32
        %dma_start3A_57 = tpu.memref_slice %arg4[%arg1, %run_scoped3A, %dma_start3A_54, %dma_start3A_55, %dma_start3A_56] : memref<16x25x2x10x80xi32, #tpu.memory_space<hbm>> -> memref<1x1x2x10x80xi32, #tpu.memory_space<hbm>>
        %dma_start3A_58 = tpu.memref_squeeze %dma_start3A_57 : memref<1x1x2x10x80xi32, #tpu.memory_space<hbm>> -> memref<2x10x80xi32, #tpu.memory_space<hbm>>
        %dma_start3A_59 = arith.constant 0 : i32
        %dma_start3A_60 = arith.constant 0 : i32
        %dma_start3A_61 = arith.constant 0 : i32
        %dma_start3A_62 = tpu.memref_slice %arg7[%run_scoped3A_8, %dma_start3A_59, %dma_start3A_60, %dma_start3A_61] : memref<2x2x10x80xi32, #tpu.memory_space<vmem>> -> memref<1x2x10x80xi32, #tpu.memory_space<vmem>>
        %dma_start3A_63 = tpu.memref_squeeze %dma_start3A_62 : memref<1x2x10x80xi32, #tpu.memory_space<vmem>> -> memref<2x10x80xi32, #tpu.memory_space<vmem>>
        %dma_start3A_64 = arith.constant 0 : i32
        %dma_start3A_65 = arith.constant 0 : i32
        %dma_start3A_66 = arith.constant 0 : i32
        %dma_start3A_67 = tpu.memref_slice %arg4[%arg1, %run_scoped3A, %dma_start3A_64, %dma_start3A_65, %dma_start3A_66] : memref<16x25x2x10x80xi32, #tpu.memory_space<hbm>> -> memref<1x1x2x10x80xi32, #tpu.memory_space<hbm>>
        %dma_start3A_68 = tpu.memref_squeeze %dma_start3A_67 : memref<1x1x2x10x80xi32, #tpu.memory_space<hbm>> -> memref<2x10x80xi32, #tpu.memory_space<hbm>>
        tpu.enqueue_dma source(%dma_start3A_68 : memref<2x10x80xi32, #tpu.memory_space<hbm>>) target(%dma_start3A_63 : memref<2x10x80xi32, #tpu.memory_space<vmem>>) target_semaphore(%run_scoped3A_48 : memref<!tpu.dma_semaphore, #tpu.memory_space<semaphore_mem>>)
        %dma_wait3A_69 = arith.constant 0 : i32
        %dma_wait3A_70 = arith.constant 0 : i32
        %dma_wait3A_71 = arith.constant 0 : i32
        %dma_wait3A_72 = tpu.memref_slice %arg7[%run_scoped3A_8, %dma_wait3A_69, %dma_wait3A_70, %dma_wait3A_71] : memref<2x2x10x80xi32, #tpu.memory_space<vmem>> -> memref<1x2x10x80xi32, #tpu.memory_space<vmem>>
        %dma_wait3A_73 = tpu.memref_squeeze %dma_wait3A_72 : memref<1x2x10x80xi32, #tpu.memory_space<vmem>> -> memref<2x10x80xi32, #tpu.memory_space<vmem>>
        %dma_wait3A_74 = arith.constant 0 : i32
        %dma_wait3A_75 = arith.constant 0 : i32
        %dma_wait3A_76 = arith.constant 0 : i32
        %dma_wait3A_77 = tpu.memref_slice %arg4[%arg1, %run_scoped3A, %dma_wait3A_74, %dma_wait3A_75, %dma_wait3A_76] : memref<16x25x2x10x80xi32, #tpu.memory_space<hbm>> -> memref<1x1x2x10x80xi32, #tpu.memory_space<hbm>>
        %dma_wait3A_78 = tpu.memref_squeeze %dma_wait3A_77 : memref<1x1x2x10x80xi32, #tpu.memory_space<hbm>> -> memref<2x10x80xi32, #tpu.memory_space<hbm>>
        %dma_wait3A_79 = arith.constant 0 : i32
        %dma_wait3A_80 = arith.constant 0 : i32
        %dma_wait3A_81 = arith.constant 0 : i32
        %dma_wait3A_82 = tpu.memref_slice %arg7[%run_scoped3A_8, %dma_wait3A_79, %dma_wait3A_80, %dma_wait3A_81] : memref<2x2x10x80xi32, #tpu.memory_space<vmem>> -> memref<1x2x10x80xi32, #tpu.memory_space<vmem>>
        %dma_wait3A_83 = tpu.memref_squeeze %dma_wait3A_82 : memref<1x2x10x80xi32, #tpu.memory_space<vmem>> -> memref<2x10x80xi32, #tpu.memory_space<vmem>>
        %dma_wait3A_84 = arith.constant 0 : i32
        %dma_wait3A_85 = arith.constant 0 : i32
        %dma_wait3A_86 = arith.constant 0 : i32
        %dma_wait3A_87 = tpu.memref_slice %arg4[%arg1, %run_scoped3A, %dma_wait3A_84, %dma_wait3A_85, %dma_wait3A_86] : memref<16x25x2x10x80xi32, #tpu.memory_space<hbm>> -> memref<1x1x2x10x80xi32, #tpu.memory_space<hbm>>
        %dma_wait3A_88 = tpu.memref_squeeze %dma_wait3A_87 : memref<1x1x2x10x80xi32, #tpu.memory_space<hbm>> -> memref<2x10x80xi32, #tpu.memory_space<hbm>>
        tpu.wait_dma2 semaphore(%run_scoped3A_48 : memref<!tpu.dma_semaphore, #tpu.memory_space<semaphore_mem>>) src(%dma_wait3A_88 : memref<2x10x80xi32, #tpu.memory_space<hbm>>) dst(%dma_wait3A_83 : memref<2x10x80xi32, #tpu.memory_space<vmem>>)
        tpu.yield
      }) : () -> ()
      %dma_start3A = arith.constant 0 : i32
      %dma_start3A_9 = arith.constant 0 : i32
      %dma_start3A_10 = arith.constant 0 : i32
      %dma_start3A_11 = arith.constant 0 : i32
      %dma_start3A_12 = arith.constant 0 : i32
      %dma_start3A_13 = arith.constant 0 : i32
      %dma_start3A_14 = arith.constant 0 : i32
      %dma_start3A_15 = tpu.memref_slice %arg8[%dma_start3A_11, %dma_start3A_13, %dma_start3A_14] : memref<2x80x128xf32, #tpu.memory_space<vmem>> -> memref<1x80x128xf32, #tpu.memory_space<vmem>>
      %dma_start3A_16 = tpu.memref_squeeze %dma_start3A_15 : memref<1x80x128xf32, #tpu.memory_space<vmem>> -> memref<80x128xf32, #tpu.memory_space<vmem>>
      %dma_start3A_17 = arith.constant 0 : i32
      %dma_start3A_18 = tpu.memref_slice %arg7[%dma_start3A, %dma_start3A_9, %dma_start3A_10, %dma_start3A_17] : memref<2x2x10x80xi32, #tpu.memory_space<vmem>> -> memref<1x1x1x80xi32, #tpu.memory_space<vmem>>
      %dma_start3A_19 = tpu.memref_squeeze %dma_start3A_18 : memref<1x1x1x80xi32, #tpu.memory_space<vmem>> -> memref<80xi32, #tpu.memory_space<vmem>>
      %dma_start3A_20 = arith.constant 0 : i32
      %dma_start3A_21 = arith.constant 0 : i32
      %dma_start3A_22 = tpu.memref_slice %arg2[%dma_start3A_20, %dma_start3A_21] : memref<10240x128xf32, #tpu.memory_space<hbm>> -> memref<10240x128xf32, #tpu.memory_space<hbm>>
      %dma_start3A_23 = tpu.memref_slice %arg10[%dma_start3A_12] : memref<2x!tpu.dma_semaphore, #tpu.memory_space<semaphore_mem>> -> memref<1x!tpu.dma_semaphore, #tpu.memory_space<semaphore_mem>>
      %dma_start3A_24 = tpu.memref_squeeze %dma_start3A_23 : memref<1x!tpu.dma_semaphore, #tpu.memory_space<semaphore_mem>> -> memref<!tpu.dma_semaphore, #tpu.memory_space<semaphore_mem>>
      tpu.enqueue_indirect_dma source(%dma_start3A_22 : memref<10240x128xf32, #tpu.memory_space<hbm>>) target(%dma_start3A_16 : memref<80x128xf32, #tpu.memory_space<vmem>>) offsets(%dma_start3A_19 : memref<80xi32, #tpu.memory_space<vmem>>) semaphore(%dma_start3A_24 : memref<!tpu.dma_semaphore, #tpu.memory_space<semaphore_mem>>)
      %scan3A = arith.constant 0 : i32
      %scan3A_25 = arith.constant 125 : i32
      %scan3A_26 = arith.addi %scan3A, %scan3A_25 : i32
      %scan3A_27 = arith.constant 1 : i32
      scf.for %scan3A_48 = %scan3A to %scan3A_26 step %scan3A_27  : i32 {
        %mul3A_49 = arith.constant 1 : i32
        %mul3A_50 = arith.muli %scan3A_48, %mul3A_49 : i32
        %add3A = arith.constant 0 : i32
        %add3A_51 = arith.addi %add3A, %mul3A_50 : i32
        %div3A = arith.constant 5 : i32
        %div3A_52 = arith.divsi %add3A_51, %div3A : i32
        %rem3A = arith.constant 5 : i32
        %rem3A_53 = arith.remsi %add3A_51, %rem3A : i32
        %mul3A_54 = arith.constant 2 : i32
        %mul3A_55 = arith.muli %mul3A_54, %rem3A_53 : i32
        %rem3A_56 = arith.constant 2 : i32
        %rem3A_57 = arith.remsi %div3A_52, %rem3A_56 : i32
        %eq3A_58 = arith.constant 0 : i32
        %eq3A_59 = arith.cmpi eq, %mul3A_55, %eq3A_58 : i32
        %dma_wait3A_60 = arith.constant 0 : i32
        %dma_wait3A_61 = arith.constant 0 : i32
        %dma_wait3A_62 = arith.constant 0 : i32
        %dma_wait3A_63 = arith.constant 0 : i32
        %dma_wait3A_64 = arith.constant 0 : i32
        %dma_wait3A_65 = tpu.memref_slice %arg8[%dma_wait3A_61, %dma_wait3A_63, %dma_wait3A_64] : memref<2x80x128xf32, #tpu.memory_space<vmem>> -> memref<1x80x128xf32, #tpu.memory_space<vmem>>
        %dma_wait3A_66 = tpu.memref_squeeze %dma_wait3A_65 : memref<1x80x128xf32, #tpu.memory_space<vmem>> -> memref<80x128xf32, #tpu.memory_space<vmem>>
        %dma_wait3A_67 = arith.constant 0 : i32
        %dma_wait3A_68 = tpu.memref_slice %arg7[%rem3A_57, %dma_wait3A_60, %mul3A_55, %dma_wait3A_67] : memref<2x2x10x80xi32, #tpu.memory_space<vmem>> -> memref<1x1x1x80xi32, #tpu.memory_space<vmem>>
        %dma_wait3A_69 = tpu.memref_squeeze %dma_wait3A_68 : memref<1x1x1x80xi32, #tpu.memory_space<vmem>> -> memref<80xi32, #tpu.memory_space<vmem>>
        %dma_wait3A_70 = arith.constant 0 : i32
        %dma_wait3A_71 = arith.constant 0 : i32
        %dma_wait3A_72 = tpu.memref_slice %arg2[%dma_wait3A_70, %dma_wait3A_71] : memref<10240x128xf32, #tpu.memory_space<hbm>> -> memref<10240x128xf32, #tpu.memory_space<hbm>>
        %dma_wait3A_73 = tpu.memref_slice %arg10[%dma_wait3A_62] : memref<2x!tpu.dma_semaphore, #tpu.memory_space<semaphore_mem>> -> memref<1x!tpu.dma_semaphore, #tpu.memory_space<semaphore_mem>>
        %dma_wait3A_74 = tpu.memref_squeeze %dma_wait3A_73 : memref<1x!tpu.dma_semaphore, #tpu.memory_space<semaphore_mem>> -> memref<!tpu.dma_semaphore, #tpu.memory_space<semaphore_mem>>
        tpu.wait_indirect_dma semaphore(%dma_wait3A_74 : memref<!tpu.dma_semaphore, #tpu.memory_space<semaphore_mem>>) src(%dma_wait3A_72 : memref<10240x128xf32, #tpu.memory_space<hbm>>) dst(%dma_wait3A_66 : memref<80x128xf32, #tpu.memory_space<vmem>>)
        %dma_start3A_75 = arith.constant 0 : i32
        %dma_start3A_76 = arith.constant 1 : i32
        %dma_start3A_77 = arith.constant 0 : i32
        %dma_start3A_78 = arith.constant 0 : i32
        %dma_start3A_79 = arith.constant 0 : i32
        %dma_start3A_80 = tpu.memref_slice %arg8[%dma_start3A_75, %dma_start3A_78, %dma_start3A_79] : memref<2x80x128xf32, #tpu.memory_space<vmem>> -> memref<1x80x128xf32, #tpu.memory_space<vmem>>
        %dma_start3A_81 = tpu.memref_squeeze %dma_start3A_80 : memref<1x80x128xf32, #tpu.memory_space<vmem>> -> memref<80x128xf32, #tpu.memory_space<vmem>>
        %dma_start3A_82 = arith.constant 0 : i32
        %dma_start3A_83 = tpu.memref_slice %arg7[%rem3A_57, %dma_start3A_76, %mul3A_55, %dma_start3A_82] : memref<2x2x10x80xi32, #tpu.memory_space<vmem>> -> memref<1x1x1x80xi32, #tpu.memory_space<vmem>>
        %dma_start3A_84 = tpu.memref_squeeze %dma_start3A_83 : memref<1x1x1x80xi32, #tpu.memory_space<vmem>> -> memref<80xi32, #tpu.memory_space<vmem>>
        %dma_start3A_85 = arith.constant 0 : i32
        %dma_start3A_86 = arith.constant 0 : i32
        %dma_start3A_87 = tpu.memref_slice %arg9[%dma_start3A_85, %dma_start3A_86] : memref<10112x128xf32, #tpu.memory_space<vmem_shared>> -> memref<10112x128xf32, #tpu.memory_space<vmem_shared>>
        %dma_start3A_88 = tpu.memref_slice %arg11[%dma_start3A_77] : memref<2x!tpu.dma_semaphore, #tpu.memory_space<semaphore_mem>> -> memref<1x!tpu.dma_semaphore, #tpu.memory_space<semaphore_mem>>
        %dma_start3A_89 = tpu.memref_squeeze %dma_start3A_88 : memref<1x!tpu.dma_semaphore, #tpu.memory_space<semaphore_mem>> -> memref<!tpu.dma_semaphore, #tpu.memory_space<semaphore_mem>>
        tpu.enqueue_indirect_dma source(%dma_start3A_81 : memref<80x128xf32, #tpu.memory_space<vmem>>) target(%dma_start3A_87 : memref<10112x128xf32, #tpu.memory_space<vmem_shared>>) offsets(%dma_start3A_84 : memref<80xi32, #tpu.memory_space<vmem>>) semaphore(%dma_start3A_89 : memref<!tpu.dma_semaphore, #tpu.memory_space<semaphore_mem>>) {add = true}
        %gt3A = arith.constant 0 : i32
        %gt3A_90 = arith.cmpi sgt, %add3A_51, %gt3A : i32
        %convert_element_type3A_91 = arith.extui %gt3A_90 : i1 to i32
        %cond3A_92 = arith.constant 0 : i32
        %cond3A_93 = arith.cmpi ne, %convert_element_type3A_91, %cond3A_92 : i32
        scf.if %cond3A_93 {
          %sub3A = arith.constant 1 : i32
          %sub3A_167 = arith.subi %sub3A, %rem3A_57 : i32
          %select_n3A = arith.select %eq3A_59, %sub3A_167, %rem3A_57 : i32
          %sub3A_168 = arith.constant 1 : i32
          %sub3A_169 = arith.subi %mul3A_55, %sub3A_168 : i32
          %jit3A = arith.constant 9 : i32
          %select_n3A_170 = arith.select %eq3A_59, %jit3A, %sub3A_169 : i32
          %dma_wait3A_171 = arith.constant 1 : i32
          %dma_wait3A_172 = arith.constant 1 : i32
          %dma_wait3A_173 = arith.constant 1 : i32
          %dma_wait3A_174 = arith.constant 0 : i32
          %dma_wait3A_175 = arith.constant 0 : i32
          %dma_wait3A_176 = tpu.memref_slice %arg8[%dma_wait3A_171, %dma_wait3A_174, %dma_wait3A_175] : memref<2x80x128xf32, #tpu.memory_space<vmem>> -> memref<1x80x128xf32, #tpu.memory_space<vmem>>
          %dma_wait3A_177 = tpu.memref_squeeze %dma_wait3A_176 : memref<1x80x128xf32, #tpu.memory_space<vmem>> -> memref<80x128xf32, #tpu.memory_space<vmem>>
          %dma_wait3A_178 = arith.constant 0 : i32
          %dma_wait3A_179 = tpu.memref_slice %arg7[%select_n3A, %dma_wait3A_172, %select_n3A_170, %dma_wait3A_178] : memref<2x2x10x80xi32, #tpu.memory_space<vmem>> -> memref<1x1x1x80xi32, #tpu.memory_space<vmem>>
          %dma_wait3A_180 = tpu.memref_squeeze %dma_wait3A_179 : memref<1x1x1x80xi32, #tpu.memory_space<vmem>> -> memref<80xi32, #tpu.memory_space<vmem>>
          %dma_wait3A_181 = arith.constant 0 : i32
          %dma_wait3A_182 = arith.constant 0 : i32
          %dma_wait3A_183 = tpu.memref_slice %arg9[%dma_wait3A_181, %dma_wait3A_182] : memref<10112x128xf32, #tpu.memory_space<vmem_shared>> -> memref<10112x128xf32, #tpu.memory_space<vmem_shared>>
          %dma_wait3A_184 = tpu.memref_slice %arg11[%dma_wait3A_173] : memref<2x!tpu.dma_semaphore, #tpu.memory_space<semaphore_mem>> -> memref<1x!tpu.dma_semaphore, #tpu.memory_space<semaphore_mem>>
          %dma_wait3A_185 = tpu.memref_squeeze %dma_wait3A_184 : memref<1x!tpu.dma_semaphore, #tpu.memory_space<semaphore_mem>> -> memref<!tpu.dma_semaphore, #tpu.memory_space<semaphore_mem>>
          tpu.wait_indirect_dma semaphore(%dma_wait3A_185 : memref<!tpu.dma_semaphore, #tpu.memory_space<semaphore_mem>>) src(%dma_wait3A_177 : memref<80x128xf32, #tpu.memory_space<vmem>>) dst(%dma_wait3A_183 : memref<10112x128xf32, #tpu.memory_space<vmem_shared>>)
        } else {
        }
        %lt3A = arith.constant 24 : i32
        %lt3A_94 = arith.cmpi slt, %div3A_52, %lt3A : i32
        %and3A = arith.andi %eq3A_59, %lt3A_94 : i1
        %convert_element_type3A_95 = arith.extui %and3A : i1 to i32
        %cond3A_96 = arith.constant 0 : i32
        %cond3A_97 = arith.cmpi ne, %convert_element_type3A_95, %cond3A_96 : i32
        scf.if %cond3A_97 {
          %add3A_167 = arith.constant 1 : i32
          %add3A_168 = arith.addi %div3A_52, %add3A_167 : i32
          %sub3A = arith.constant 1 : i32
          %sub3A_169 = arith.subi %sub3A, %rem3A_57 : i32
          "tpu.region"() ({
            %run_scoped3A_170 = tpu.sem_alloc : memref<!tpu.dma_semaphore, #tpu.memory_space<semaphore_mem>>
            %dma_start3A_171 = arith.constant 0 : i32
            %dma_start3A_172 = arith.constant 0 : i32
            %dma_start3A_173 = arith.constant 0 : i32
            %dma_start3A_174 = tpu.memref_slice %arg7[%sub3A_169, %dma_start3A_171, %dma_start3A_172, %dma_start3A_173] : memref<2x2x10x80xi32, #tpu.memory_space<vmem>> -> memref<1x2x10x80xi32, #tpu.memory_space<vmem>>
            %dma_start3A_175 = tpu.memref_squeeze %dma_start3A_174 : memref<1x2x10x80xi32, #tpu.memory_space<vmem>> -> memref<2x10x80xi32, #tpu.memory_space<vmem>>
            %dma_start3A_176 = arith.constant 0 : i32
            %dma_start3A_177 = arith.constant 0 : i32
            %dma_start3A_178 = arith.constant 0 : i32
            %dma_start3A_179 = tpu.memref_slice %arg4[%arg1, %add3A_168, %dma_start3A_176, %dma_start3A_177, %dma_start3A_178] : memref<16x25x2x10x80xi32, #tpu.memory_space<hbm>> -> memref<1x1x2x10x80xi32, #tpu.memory_space<hbm>>
            %dma_start3A_180 = tpu.memref_squeeze %dma_start3A_179 : memref<1x1x2x10x80xi32, #tpu.memory_space<hbm>> -> memref<2x10x80xi32, #tpu.memory_space<hbm>>
            %dma_start3A_181 = arith.constant 0 : i32
            %dma_start3A_182 = arith.constant 0 : i32
            %dma_start3A_183 = arith.constant 0 : i32
            %dma_start3A_184 = tpu.memref_slice %arg7[%sub3A_169, %dma_start3A_181, %dma_start3A_182, %dma_start3A_183] : memref<2x2x10x80xi32, #tpu.memory_space<vmem>> -> memref<1x2x10x80xi32, #tpu.memory_space<vmem>>
            %dma_start3A_185 = tpu.memref_squeeze %dma_start3A_184 : memref<1x2x10x80xi32, #tpu.memory_space<vmem>> -> memref<2x10x80xi32, #tpu.memory_space<vmem>>
            %dma_start3A_186 = arith.constant 0 : i32
            %dma_start3A_187 = arith.constant 0 : i32
            %dma_start3A_188 = arith.constant 0 : i32
            %dma_start3A_189 = tpu.memref_slice %arg4[%arg1, %add3A_168, %dma_start3A_186, %dma_start3A_187, %dma_start3A_188] : memref<16x25x2x10x80xi32, #tpu.memory_space<hbm>> -> memref<1x1x2x10x80xi32, #tpu.memory_space<hbm>>
            %dma_start3A_190 = tpu.memref_squeeze %dma_start3A_189 : memref<1x1x2x10x80xi32, #tpu.memory_space<hbm>> -> memref<2x10x80xi32, #tpu.memory_space<hbm>>
            tpu.enqueue_dma source(%dma_start3A_190 : memref<2x10x80xi32, #tpu.memory_space<hbm>>) target(%dma_start3A_185 : memref<2x10x80xi32, #tpu.memory_space<vmem>>) target_semaphore(%run_scoped3A_170 : memref<!tpu.dma_semaphore, #tpu.memory_space<semaphore_mem>>)
            %dma_wait3A_191 = arith.constant 0 : i32
            %dma_wait3A_192 = arith.constant 0 : i32
            %dma_wait3A_193 = arith.constant 0 : i32
            %dma_wait3A_194 = tpu.memref_slice %arg7[%sub3A_169, %dma_wait3A_191, %dma_wait3A_192, %dma_wait3A_193] : memref<2x2x10x80xi32, #tpu.memory_space<vmem>> -> memref<1x2x10x80xi32, #tpu.memory_space<vmem>>
            %dma_wait3A_195 = tpu.memref_squeeze %dma_wait3A_194 : memref<1x2x10x80xi32, #tpu.memory_space<vmem>> -> memref<2x10x80xi32, #tpu.memory_space<vmem>>
            %dma_wait3A_196 = arith.constant 0 : i32
            %dma_wait3A_197 = arith.constant 0 : i32
            %dma_wait3A_198 = arith.constant 0 : i32
            %dma_wait3A_199 = tpu.memref_slice %arg4[%arg1, %add3A_168, %dma_wait3A_196, %dma_wait3A_197, %dma_wait3A_198] : memref<16x25x2x10x80xi32, #tpu.memory_space<hbm>> -> memref<1x1x2x10x80xi32, #tpu.memory_space<hbm>>
            %dma_wait3A_200 = tpu.memref_squeeze %dma_wait3A_199 : memref<1x1x2x10x80xi32, #tpu.memory_space<hbm>> -> memref<2x10x80xi32, #tpu.memory_space<hbm>>
            %dma_wait3A_201 = arith.constant 0 : i32
            %dma_wait3A_202 = arith.constant 0 : i32
            %dma_wait3A_203 = arith.constant 0 : i32
            %dma_wait3A_204 = tpu.memref_slice %arg7[%sub3A_169, %dma_wait3A_201, %dma_wait3A_202, %dma_wait3A_203] : memref<2x2x10x80xi32, #tpu.memory_space<vmem>> -> memref<1x2x10x80xi32, #tpu.memory_space<vmem>>
            %dma_wait3A_205 = tpu.memref_squeeze %dma_wait3A_204 : memref<1x2x10x80xi32, #tpu.memory_space<vmem>> -> memref<2x10x80xi32, #tpu.memory_space<vmem>>
            %dma_wait3A_206 = arith.constant 0 : i32
            %dma_wait3A_207 = arith.constant 0 : i32
            %dma_wait3A_208 = arith.constant 0 : i32
            %dma_wait3A_209 = tpu.memref_slice %arg4[%arg1, %add3A_168, %dma_wait3A_206, %dma_wait3A_207, %dma_wait3A_208] : memref<16x25x2x10x80xi32, #tpu.memory_space<hbm>> -> memref<1x1x2x10x80xi32, #tpu.memory_space<hbm>>
            %dma_wait3A_210 = tpu.memref_squeeze %dma_wait3A_209 : memref<1x1x2x10x80xi32, #tpu.memory_space<hbm>> -> memref<2x10x80xi32, #tpu.memory_space<hbm>>
            tpu.wait_dma2 semaphore(%run_scoped3A_170 : memref<!tpu.dma_semaphore, #tpu.memory_space<semaphore_mem>>) src(%dma_wait3A_210 : memref<2x10x80xi32, #tpu.memory_space<hbm>>) dst(%dma_wait3A_205 : memref<2x10x80xi32, #tpu.memory_space<vmem>>)
            tpu.yield
          }) : () -> ()
        } else {
        }
        %add3A_98 = arith.constant 1 : i32
        %add3A_99 = arith.addi %mul3A_55, %add3A_98 : i32
        %dma_start3A_100 = arith.constant 0 : i32
        %dma_start3A_101 = arith.constant 1 : i32
        %dma_start3A_102 = arith.constant 1 : i32
        %dma_start3A_103 = arith.constant 0 : i32
        %dma_start3A_104 = arith.constant 0 : i32
        %dma_start3A_105 = tpu.memref_slice %arg8[%dma_start3A_101, %dma_start3A_103, %dma_start3A_104] : memref<2x80x128xf32, #tpu.memory_space<vmem>> -> memref<1x80x128xf32, #tpu.memory_space<vmem>>
        %dma_start3A_106 = tpu.memref_squeeze %dma_start3A_105 : memref<1x80x128xf32, #tpu.memory_space<vmem>> -> memref<80x128xf32, #tpu.memory_space<vmem>>
        %dma_start3A_107 = arith.constant 0 : i32
        %dma_start3A_108 = tpu.memref_slice %arg7[%rem3A_57, %dma_start3A_100, %add3A_99, %dma_start3A_107] : memref<2x2x10x80xi32, #tpu.memory_space<vmem>> -> memref<1x1x1x80xi32, #tpu.memory_space<vmem>>
        %dma_start3A_109 = tpu.memref_squeeze %dma_start3A_108 : memref<1x1x1x80xi32, #tpu.memory_space<vmem>> -> memref<80xi32, #tpu.memory_space<vmem>>
        %dma_start3A_110 = arith.constant 0 : i32
        %dma_start3A_111 = arith.constant 0 : i32
        %dma_start3A_112 = tpu.memref_slice %arg2[%dma_start3A_110, %dma_start3A_111] : memref<10240x128xf32, #tpu.memory_space<hbm>> -> memref<10240x128xf32, #tpu.memory_space<hbm>>
        %dma_start3A_113 = tpu.memref_slice %arg10[%dma_start3A_102] : memref<2x!tpu.dma_semaphore, #tpu.memory_space<semaphore_mem>> -> memref<1x!tpu.dma_semaphore, #tpu.memory_space<semaphore_mem>>
        %dma_start3A_114 = tpu.memref_squeeze %dma_start3A_113 : memref<1x!tpu.dma_semaphore, #tpu.memory_space<semaphore_mem>> -> memref<!tpu.dma_semaphore, #tpu.memory_space<semaphore_mem>>
        tpu.enqueue_indirect_dma source(%dma_start3A_112 : memref<10240x128xf32, #tpu.memory_space<hbm>>) target(%dma_start3A_106 : memref<80x128xf32, #tpu.memory_space<vmem>>) offsets(%dma_start3A_109 : memref<80xi32, #tpu.memory_space<vmem>>) semaphore(%dma_start3A_114 : memref<!tpu.dma_semaphore, #tpu.memory_space<semaphore_mem>>)
        %dma_wait3A_115 = arith.constant 0 : i32
        %dma_wait3A_116 = arith.constant 1 : i32
        %dma_wait3A_117 = arith.constant 1 : i32
        %dma_wait3A_118 = arith.constant 0 : i32
        %dma_wait3A_119 = arith.constant 0 : i32
        %dma_wait3A_120 = tpu.memref_slice %arg8[%dma_wait3A_116, %dma_wait3A_118, %dma_wait3A_119] : memref<2x80x128xf32, #tpu.memory_space<vmem>> -> memref<1x80x128xf32, #tpu.memory_space<vmem>>
        %dma_wait3A_121 = tpu.memref_squeeze %dma_wait3A_120 : memref<1x80x128xf32, #tpu.memory_space<vmem>> -> memref<80x128xf32, #tpu.memory_space<vmem>>
        %dma_wait3A_122 = arith.constant 0 : i32
        %dma_wait3A_123 = tpu.memref_slice %arg7[%rem3A_57, %dma_wait3A_115, %add3A_99, %dma_wait3A_122] : memref<2x2x10x80xi32, #tpu.memory_space<vmem>> -> memref<1x1x1x80xi32, #tpu.memory_space<vmem>>
        %dma_wait3A_124 = tpu.memref_squeeze %dma_wait3A_123 : memref<1x1x1x80xi32, #tpu.memory_space<vmem>> -> memref<80xi32, #tpu.memory_space<vmem>>
        %dma_wait3A_125 = arith.constant 0 : i32
        %dma_wait3A_126 = arith.constant 0 : i32
        %dma_wait3A_127 = tpu.memref_slice %arg2[%dma_wait3A_125, %dma_wait3A_126] : memref<10240x128xf32, #tpu.memory_space<hbm>> -> memref<10240x128xf32, #tpu.memory_space<hbm>>
        %dma_wait3A_128 = tpu.memref_slice %arg10[%dma_wait3A_117] : memref<2x!tpu.dma_semaphore, #tpu.memory_space<semaphore_mem>> -> memref<1x!tpu.dma_semaphore, #tpu.memory_space<semaphore_mem>>
        %dma_wait3A_129 = tpu.memref_squeeze %dma_wait3A_128 : memref<1x!tpu.dma_semaphore, #tpu.memory_space<semaphore_mem>> -> memref<!tpu.dma_semaphore, #tpu.memory_space<semaphore_mem>>
        tpu.wait_indirect_dma semaphore(%dma_wait3A_129 : memref<!tpu.dma_semaphore, #tpu.memory_space<semaphore_mem>>) src(%dma_wait3A_127 : memref<10240x128xf32, #tpu.memory_space<hbm>>) dst(%dma_wait3A_121 : memref<80x128xf32, #tpu.memory_space<vmem>>)
        %dma_wait3A_130 = arith.constant 0 : i32
        %dma_wait3A_131 = arith.constant 1 : i32
        %dma_wait3A_132 = arith.constant 0 : i32
        %dma_wait3A_133 = arith.constant 0 : i32
        %dma_wait3A_134 = arith.constant 0 : i32
        %dma_wait3A_135 = tpu.memref_slice %arg8[%dma_wait3A_130, %dma_wait3A_133, %dma_wait3A_134] : memref<2x80x128xf32, #tpu.memory_space<vmem>> -> memref<1x80x128xf32, #tpu.memory_space<vmem>>
        %dma_wait3A_136 = tpu.memref_squeeze %dma_wait3A_135 : memref<1x80x128xf32, #tpu.memory_space<vmem>> -> memref<80x128xf32, #tpu.memory_space<vmem>>
        %dma_wait3A_137 = arith.constant 0 : i32
        %dma_wait3A_138 = tpu.memref_slice %arg7[%rem3A_57, %dma_wait3A_131, %mul3A_55, %dma_wait3A_137] : memref<2x2x10x80xi32, #tpu.memory_space<vmem>> -> memref<1x1x1x80xi32, #tpu.memory_space<vmem>>
        %dma_wait3A_139 = tpu.memref_squeeze %dma_wait3A_138 : memref<1x1x1x80xi32, #tpu.memory_space<vmem>> -> memref<80xi32, #tpu.memory_space<vmem>>
        %dma_wait3A_140 = arith.constant 0 : i32
        %dma_wait3A_141 = arith.constant 0 : i32
        %dma_wait3A_142 = tpu.memref_slice %arg9[%dma_wait3A_140, %dma_wait3A_141] : memref<10112x128xf32, #tpu.memory_space<vmem_shared>> -> memref<10112x128xf32, #tpu.memory_space<vmem_shared>>
        %dma_wait3A_143 = tpu.memref_slice %arg11[%dma_wait3A_132] : memref<2x!tpu.dma_semaphore, #tpu.memory_space<semaphore_mem>> -> memref<1x!tpu.dma_semaphore, #tpu.memory_space<semaphore_mem>>
        %dma_wait3A_144 = tpu.memref_squeeze %dma_wait3A_143 : memref<1x!tpu.dma_semaphore, #tpu.memory_space<semaphore_mem>> -> memref<!tpu.dma_semaphore, #tpu.memory_space<semaphore_mem>>
        tpu.wait_indirect_dma semaphore(%dma_wait3A_144 : memref<!tpu.dma_semaphore, #tpu.memory_space<semaphore_mem>>) src(%dma_wait3A_136 : memref<80x128xf32, #tpu.memory_space<vmem>>) dst(%dma_wait3A_142 : memref<10112x128xf32, #tpu.memory_space<vmem_shared>>)
        %add3A_145 = arith.constant 1 : i32
        %add3A_146 = arith.addi %mul3A_55, %add3A_145 : i32
        %dma_start3A_147 = arith.constant 1 : i32
        %dma_start3A_148 = arith.constant 1 : i32
        %dma_start3A_149 = arith.constant 1 : i32
        %dma_start3A_150 = arith.constant 0 : i32
        %dma_start3A_151 = arith.constant 0 : i32
        %dma_start3A_152 = tpu.memref_slice %arg8[%dma_start3A_147, %dma_start3A_150, %dma_start3A_151] : memref<2x80x128xf32, #tpu.memory_space<vmem>> -> memref<1x80x128xf32, #tpu.memory_space<vmem>>
        %dma_start3A_153 = tpu.memref_squeeze %dma_start3A_152 : memref<1x80x128xf32, #tpu.memory_space<vmem>> -> memref<80x128xf32, #tpu.memory_space<vmem>>
        %dma_start3A_154 = arith.constant 0 : i32
        %dma_start3A_155 = tpu.memref_slice %arg7[%rem3A_57, %dma_start3A_148, %add3A_146, %dma_start3A_154] : memref<2x2x10x80xi32, #tpu.memory_space<vmem>> -> memref<1x1x1x80xi32, #tpu.memory_space<vmem>>
        %dma_start3A_156 = tpu.memref_squeeze %dma_start3A_155 : memref<1x1x1x80xi32, #tpu.memory_space<vmem>> -> memref<80xi32, #tpu.memory_space<vmem>>
        %dma_start3A_157 = arith.constant 0 : i32
        %dma_start3A_158 = arith.constant 0 : i32
        %dma_start3A_159 = tpu.memref_slice %arg9[%dma_start3A_157, %dma_start3A_158] : memref<10112x128xf32, #tpu.memory_space<vmem_shared>> -> memref<10112x128xf32, #tpu.memory_space<vmem_shared>>
        %dma_start3A_160 = tpu.memref_slice %arg11[%dma_start3A_149] : memref<2x!tpu.dma_semaphore, #tpu.memory_space<semaphore_mem>> -> memref<1x!tpu.dma_semaphore, #tpu.memory_space<semaphore_mem>>
        %dma_start3A_161 = tpu.memref_squeeze %dma_start3A_160 : memref<1x!tpu.dma_semaphore, #tpu.memory_space<semaphore_mem>> -> memref<!tpu.dma_semaphore, #tpu.memory_space<semaphore_mem>>
        tpu.enqueue_indirect_dma source(%dma_start3A_153 : memref<80x128xf32, #tpu.memory_space<vmem>>) target(%dma_start3A_159 : memref<10112x128xf32, #tpu.memory_space<vmem_shared>>) offsets(%dma_start3A_156 : memref<80xi32, #tpu.memory_space<vmem>>) semaphore(%dma_start3A_161 : memref<!tpu.dma_semaphore, #tpu.memory_space<semaphore_mem>>) {add = true}
        %lt3A_162 = arith.constant 124 : i32
        %lt3A_163 = arith.cmpi slt, %add3A_51, %lt3A_162 : i32
        %convert_element_type3A_164 = arith.extui %lt3A_163 : i1 to i32
        %cond3A_165 = arith.constant 0 : i32
        %cond3A_166 = arith.cmpi ne, %convert_element_type3A_164, %cond3A_165 : i32
        scf.if %cond3A_166 {
          %mul3A_167 = arith.constant 2 : i32
          %mul3A_168 = arith.muli %mul3A_167, %add3A_51 : i32
          %add3A_169 = arith.constant 2 : i32
          %add3A_170 = arith.addi %mul3A_168, %add3A_169 : i32
          %div3A_171 = arith.constant 10 : i32
          %div3A_172 = arith.divsi %add3A_170, %div3A_171 : i32
          %rem3A_173 = arith.constant 10 : i32
          %rem3A_174 = arith.remsi %add3A_170, %rem3A_173 : i32
          %rem3A_175 = arith.constant 2 : i32
          %rem3A_176 = arith.remsi %div3A_172, %rem3A_175 : i32
          %dma_start3A_177 = arith.constant 0 : i32
          %dma_start3A_178 = arith.constant 0 : i32
          %dma_start3A_179 = arith.constant 0 : i32
          %dma_start3A_180 = arith.constant 0 : i32
          %dma_start3A_181 = arith.constant 0 : i32
          %dma_start3A_182 = tpu.memref_slice %arg8[%dma_start3A_178, %dma_start3A_180, %dma_start3A_181] : memref<2x80x128xf32, #tpu.memory_space<vmem>> -> memref<1x80x128xf32, #tpu.memory_space<vmem>>
          %dma_start3A_183 = tpu.memref_squeeze %dma_start3A_182 : memref<1x80x128xf32, #tpu.memory_space<vmem>> -> memref<80x128xf32, #tpu.memory_space<vmem>>
          %dma_start3A_184 = arith.constant 0 : i32
          %dma_start3A_185 = tpu.memref_slice %arg7[%rem3A_176, %dma_start3A_177, %rem3A_174, %dma_start3A_184] : memref<2x2x10x80xi32, #tpu.memory_space<vmem>> -> memref<1x1x1x80xi32, #tpu.memory_space<vmem>>
          %dma_start3A_186 = tpu.memref_squeeze %dma_start3A_185 : memref<1x1x1x80xi32, #tpu.memory_space<vmem>> -> memref<80xi32, #tpu.memory_space<vmem>>
          %dma_start3A_187 = arith.constant 0 : i32
          %dma_start3A_188 = arith.constant 0 : i32
          %dma_start3A_189 = tpu.memref_slice %arg2[%dma_start3A_187, %dma_start3A_188] : memref<10240x128xf32, #tpu.memory_space<hbm>> -> memref<10240x128xf32, #tpu.memory_space<hbm>>
          %dma_start3A_190 = tpu.memref_slice %arg10[%dma_start3A_179] : memref<2x!tpu.dma_semaphore, #tpu.memory_space<semaphore_mem>> -> memref<1x!tpu.dma_semaphore, #tpu.memory_space<semaphore_mem>>
          %dma_start3A_191 = tpu.memref_squeeze %dma_start3A_190 : memref<1x!tpu.dma_semaphore, #tpu.memory_space<semaphore_mem>> -> memref<!tpu.dma_semaphore, #tpu.memory_space<semaphore_mem>>
          tpu.enqueue_indirect_dma source(%dma_start3A_189 : memref<10240x128xf32, #tpu.memory_space<hbm>>) target(%dma_start3A_183 : memref<80x128xf32, #tpu.memory_space<vmem>>) offsets(%dma_start3A_186 : memref<80xi32, #tpu.memory_space<vmem>>) semaphore(%dma_start3A_191 : memref<!tpu.dma_semaphore, #tpu.memory_space<semaphore_mem>>)
        } else {
        }
      }
      %scan3A_28 = arith.constant 125 : i32
      %dma_wait3A = arith.constant 1 : i32
      %dma_wait3A_29 = arith.constant 0 : i32
      %dma_wait3A_30 = arith.constant 1 : i32
      %dma_wait3A_31 = arith.constant 9 : i32
      %dma_wait3A_32 = arith.constant 1 : i32
      %dma_wait3A_33 = arith.constant 0 : i32
      %dma_wait3A_34 = arith.constant 0 : i32
      %dma_wait3A_35 = tpu.memref_slice %arg8[%dma_wait3A, %dma_wait3A_33, %dma_wait3A_34] : memref<2x80x128xf32, #tpu.memory_space<vmem>> -> memref<1x80x128xf32, #tpu.memory_space<vmem>>
      %dma_wait3A_36 = tpu.memref_squeeze %dma_wait3A_35 : memref<1x80x128xf32, #tpu.memory_space<vmem>> -> memref<80x128xf32, #tpu.memory_space<vmem>>
      %dma_wait3A_37 = arith.constant 0 : i32
      %dma_wait3A_38 = tpu.memref_slice %arg7[%dma_wait3A_29, %dma_wait3A_30, %dma_wait3A_31, %dma_wait3A_37] : memref<2x2x10x80xi32, #tpu.memory_space<vmem>> -> memref<1x1x1x80xi32, #tpu.memory_space<vmem>>
      %dma_wait3A_39 = tpu.memref_squeeze %dma_wait3A_38 : memref<1x1x1x80xi32, #tpu.memory_space<vmem>> -> memref<80xi32, #tpu.memory_space<vmem>>
      %dma_wait3A_40 = arith.constant 0 : i32
      %dma_wait3A_41 = arith.constant 0 : i32
      %dma_wait3A_42 = tpu.memref_slice %arg9[%dma_wait3A_40, %dma_wait3A_41] : memref<10112x128xf32, #tpu.memory_space<vmem_shared>> -> memref<10112x128xf32, #tpu.memory_space<vmem_shared>>
      %dma_wait3A_43 = tpu.memref_slice %arg11[%dma_wait3A_32] : memref<2x!tpu.dma_semaphore, #tpu.memory_space<semaphore_mem>> -> memref<1x!tpu.dma_semaphore, #tpu.memory_space<semaphore_mem>>
      %dma_wait3A_44 = tpu.memref_squeeze %dma_wait3A_43 : memref<1x!tpu.dma_semaphore, #tpu.memory_space<semaphore_mem>> -> memref<!tpu.dma_semaphore, #tpu.memory_space<semaphore_mem>>
      tpu.wait_indirect_dma semaphore(%dma_wait3A_44 : memref<!tpu.dma_semaphore, #tpu.memory_space<semaphore_mem>>) src(%dma_wait3A_36 : memref<80x128xf32, #tpu.memory_space<vmem>>) dst(%dma_wait3A_42 : memref<10112x128xf32, #tpu.memory_space<vmem_shared>>)
      %barrier3A_45 = arith.constant 0 : index
      tpu.barrier barrier_id(%barrier3A_45)
      %mul3A_46 = arith.constant 632 : i32
      %mul3A_47 = arith.muli %arg1, %mul3A_46 : i32
      "tpu.region"() ({
        %run_scoped3A_48 = tpu.sem_alloc : memref<!tpu.dma_semaphore, #tpu.memory_space<semaphore_mem>>
        %dma_start3A_49 = arith.constant 0 : i32
        %dma_start3A_50 = tpu.memref_slice %arg5[%mul3A_47, %dma_start3A_49] : memref<10240x128xf32, #tpu.memory_space<hbm>> -> memref<632x128xf32, #tpu.memory_space<hbm>>
        %dma_start3A_51 = arith.constant 0 : i32
        %dma_start3A_52 = tpu.memref_slice %arg9[%mul3A_0, %dma_start3A_51] : memref<10112x128xf32, #tpu.memory_space<vmem_shared>> -> memref<632x128xf32, #tpu.memory_space<vmem_shared>>
        tpu.enqueue_dma source(%dma_start3A_52 : memref<632x128xf32, #tpu.memory_space<vmem_shared>>) target(%dma_start3A_50 : memref<632x128xf32, #tpu.memory_space<hbm>>) target_semaphore(%run_scoped3A_48 : memref<!tpu.dma_semaphore, #tpu.memory_space<semaphore_mem>>)
        %dma_wait3A_53 = arith.constant 0 : i32
        %dma_wait3A_54 = tpu.memref_slice %arg5[%mul3A_47, %dma_wait3A_53] : memref<10240x128xf32, #tpu.memory_space<hbm>> -> memref<632x128xf32, #tpu.memory_space<hbm>>
        %dma_wait3A_55 = arith.constant 0 : i32
        %dma_wait3A_56 = tpu.memref_slice %arg9[%mul3A_0, %dma_wait3A_55] : memref<10112x128xf32, #tpu.memory_space<vmem_shared>> -> memref<632x128xf32, #tpu.memory_space<vmem_shared>>
        tpu.wait_dma2 semaphore(%run_scoped3A_48 : memref<!tpu.dma_semaphore, #tpu.memory_space<semaphore_mem>>) src(%dma_wait3A_56 : memref<632x128xf32, #tpu.memory_space<vmem_shared>>) dst(%dma_wait3A_54 : memref<632x128xf32, #tpu.memory_space<hbm>>)
        tpu.yield
      }) : () -> ()
    } else {
    }
    %eq3A_3 = arith.constant 1 : i32
    %eq3A_4 = arith.cmpi eq, %arg0, %eq3A_3 : i32
    %convert_element_type3A_5 = arith.extui %eq3A_4 : i1 to i32
    %cond3A_6 = arith.constant 0 : i32
    %cond3A_7 = arith.cmpi ne, %convert_element_type3A_5, %cond3A_6 : i32
    scf.if %cond3A_7 {
      "tpu.region"() ({
        %run_scoped3A_48 = tpu.sem_alloc : memref<!tpu.dma_semaphore, #tpu.memory_space<semaphore_mem>>
        %dma_start3A_49 = arith.constant 0 : i32
        %dma_start3A_50 = tpu.memref_slice %arg9[%mul3A_0, %dma_start3A_49] : memref<10112x128xf32, #tpu.memory_space<vmem_shared>> -> memref<632x128xf32, #tpu.memory_space<vmem_shared>>
        %dma_start3A_51 = arith.constant 0 : i32
        %dma_start3A_52 = tpu.memref_slice %arg3[%mul3A_0, %dma_start3A_51] : memref<10240x128xf32, #tpu.memory_space<hbm>> -> memref<632x128xf32, #tpu.memory_space<hbm>>
        tpu.enqueue_dma source(%dma_start3A_52 : memref<632x128xf32, #tpu.memory_space<hbm>>) target(%dma_start3A_50 : memref<632x128xf32, #tpu.memory_space<vmem_shared>>) target_semaphore(%run_scoped3A_48 : memref<!tpu.dma_semaphore, #tpu.memory_space<semaphore_mem>>)
        %dma_wait3A_53 = arith.constant 0 : i32
        %dma_wait3A_54 = tpu.memref_slice %arg9[%mul3A_0, %dma_wait3A_53] : memref<10112x128xf32, #tpu.memory_space<vmem_shared>> -> memref<632x128xf32, #tpu.memory_space<vmem_shared>>
        %dma_wait3A_55 = arith.constant 0 : i32
        %dma_wait3A_56 = tpu.memref_slice %arg3[%mul3A_0, %dma_wait3A_55] : memref<10240x128xf32, #tpu.memory_space<hbm>> -> memref<632x128xf32, #tpu.memory_space<hbm>>
        tpu.wait_dma2 semaphore(%run_scoped3A_48 : memref<!tpu.dma_semaphore, #tpu.memory_space<semaphore_mem>>) src(%dma_wait3A_56 : memref<632x128xf32, #tpu.memory_space<hbm>>) dst(%dma_wait3A_54 : memref<632x128xf32, #tpu.memory_space<vmem_shared>>)
        tpu.yield
      }) : () -> ()
      %barrier3A = arith.constant 0 : index
      tpu.barrier barrier_id(%barrier3A)
      %run_scoped3A = arith.constant 0 : i32
      %run_scoped3A_8 = arith.constant 0 : i32
      "tpu.region"() ({
        %run_scoped3A_48 = tpu.sem_alloc : memref<!tpu.dma_semaphore, #tpu.memory_space<semaphore_mem>>
        %dma_start3A_49 = arith.constant 0 : i32
        %dma_start3A_50 = arith.constant 0 : i32
        %dma_start3A_51 = arith.constant 0 : i32
        %dma_start3A_52 = tpu.memref_slice %arg7[%run_scoped3A_8, %dma_start3A_49, %dma_start3A_50, %dma_start3A_51] : memref<2x2x10x80xi32, #tpu.memory_space<vmem>> -> memref<1x2x10x80xi32, #tpu.memory_space<vmem>>
        %dma_start3A_53 = tpu.memref_squeeze %dma_start3A_52 : memref<1x2x10x80xi32, #tpu.memory_space<vmem>> -> memref<2x10x80xi32, #tpu.memory_space<vmem>>
        %dma_start3A_54 = arith.constant 0 : i32
        %dma_start3A_55 = arith.constant 0 : i32
        %dma_start3A_56 = arith.constant 0 : i32
        %dma_start3A_57 = tpu.memref_slice %arg4[%arg1, %run_scoped3A, %dma_start3A_54, %dma_start3A_55, %dma_start3A_56] : memref<16x25x2x10x80xi32, #tpu.memory_space<hbm>> -> memref<1x1x2x10x80xi32, #tpu.memory_space<hbm>>
        %dma_start3A_58 = tpu.memref_squeeze %dma_start3A_57 : memref<1x1x2x10x80xi32, #tpu.memory_space<hbm>> -> memref<2x10x80xi32, #tpu.memory_space<hbm>>
        %dma_start3A_59 = arith.constant 0 : i32
        %dma_start3A_60 = arith.constant 0 : i32
        %dma_start3A_61 = arith.constant 0 : i32
        %dma_start3A_62 = tpu.memref_slice %arg7[%run_scoped3A_8, %dma_start3A_59, %dma_start3A_60, %dma_start3A_61] : memref<2x2x10x80xi32, #tpu.memory_space<vmem>> -> memref<1x2x10x80xi32, #tpu.memory_space<vmem>>
        %dma_start3A_63 = tpu.memref_squeeze %dma_start3A_62 : memref<1x2x10x80xi32, #tpu.memory_space<vmem>> -> memref<2x10x80xi32, #tpu.memory_space<vmem>>
        %dma_start3A_64 = arith.constant 0 : i32
        %dma_start3A_65 = arith.constant 0 : i32
        %dma_start3A_66 = arith.constant 0 : i32
        %dma_start3A_67 = tpu.memref_slice %arg4[%arg1, %run_scoped3A, %dma_start3A_64, %dma_start3A_65, %dma_start3A_66] : memref<16x25x2x10x80xi32, #tpu.memory_space<hbm>> -> memref<1x1x2x10x80xi32, #tpu.memory_space<hbm>>
        %dma_start3A_68 = tpu.memref_squeeze %dma_start3A_67 : memref<1x1x2x10x80xi32, #tpu.memory_space<hbm>> -> memref<2x10x80xi32, #tpu.memory_space<hbm>>
        tpu.enqueue_dma source(%dma_start3A_68 : memref<2x10x80xi32, #tpu.memory_space<hbm>>) target(%dma_start3A_63 : memref<2x10x80xi32, #tpu.memory_space<vmem>>) target_semaphore(%run_scoped3A_48 : memref<!tpu.dma_semaphore, #tpu.memory_space<semaphore_mem>>)
        %dma_wait3A_69 = arith.constant 0 : i32
        %dma_wait3A_70 = arith.constant 0 : i32
        %dma_wait3A_71 = arith.constant 0 : i32
        %dma_wait3A_72 = tpu.memref_slice %arg7[%run_scoped3A_8, %dma_wait3A_69, %dma_wait3A_70, %dma_wait3A_71] : memref<2x2x10x80xi32, #tpu.memory_space<vmem>> -> memref<1x2x10x80xi32, #tpu.memory_space<vmem>>
        %dma_wait3A_73 = tpu.memref_squeeze %dma_wait3A_72 : memref<1x2x10x80xi32, #tpu.memory_space<vmem>> -> memref<2x10x80xi32, #tpu.memory_space<vmem>>
        %dma_wait3A_74 = arith.constant 0 : i32
        %dma_wait3A_75 = arith.constant 0 : i32
        %dma_wait3A_76 = arith.constant 0 : i32
        %dma_wait3A_77 = tpu.memref_slice %arg4[%arg1, %run_scoped3A, %dma_wait3A_74, %dma_wait3A_75, %dma_wait3A_76] : memref<16x25x2x10x80xi32, #tpu.memory_space<hbm>> -> memref<1x1x2x10x80xi32, #tpu.memory_space<hbm>>
        %dma_wait3A_78 = tpu.memref_squeeze %dma_wait3A_77 : memref<1x1x2x10x80xi32, #tpu.memory_space<hbm>> -> memref<2x10x80xi32, #tpu.memory_space<hbm>>
        %dma_wait3A_79 = arith.constant 0 : i32
        %dma_wait3A_80 = arith.constant 0 : i32
        %dma_wait3A_81 = arith.constant 0 : i32
        %dma_wait3A_82 = tpu.memref_slice %arg7[%run_scoped3A_8, %dma_wait3A_79, %dma_wait3A_80, %dma_wait3A_81] : memref<2x2x10x80xi32, #tpu.memory_space<vmem>> -> memref<1x2x10x80xi32, #tpu.memory_space<vmem>>
        %dma_wait3A_83 = tpu.memref_squeeze %dma_wait3A_82 : memref<1x2x10x80xi32, #tpu.memory_space<vmem>> -> memref<2x10x80xi32, #tpu.memory_space<vmem>>
        %dma_wait3A_84 = arith.constant 0 : i32
        %dma_wait3A_85 = arith.constant 0 : i32
        %dma_wait3A_86 = arith.constant 0 : i32
        %dma_wait3A_87 = tpu.memref_slice %arg4[%arg1, %run_scoped3A, %dma_wait3A_84, %dma_wait3A_85, %dma_wait3A_86] : memref<16x25x2x10x80xi32, #tpu.memory_space<hbm>> -> memref<1x1x2x10x80xi32, #tpu.memory_space<hbm>>
        %dma_wait3A_88 = tpu.memref_squeeze %dma_wait3A_87 : memref<1x1x2x10x80xi32, #tpu.memory_space<hbm>> -> memref<2x10x80xi32, #tpu.memory_space<hbm>>
        tpu.wait_dma2 semaphore(%run_scoped3A_48 : memref<!tpu.dma_semaphore, #tpu.memory_space<semaphore_mem>>) src(%dma_wait3A_88 : memref<2x10x80xi32, #tpu.memory_space<hbm>>) dst(%dma_wait3A_83 : memref<2x10x80xi32, #tpu.memory_space<vmem>>)
        tpu.yield
      }) : () -> ()
      %dma_start3A = arith.constant 0 : i32
      %dma_start3A_9 = arith.constant 0 : i32
      %dma_start3A_10 = arith.constant 0 : i32
      %dma_start3A_11 = arith.constant 0 : i32
      %dma_start3A_12 = arith.constant 0 : i32
      %dma_start3A_13 = arith.constant 0 : i32
      %dma_start3A_14 = arith.constant 0 : i32
      %dma_start3A_15 = tpu.memref_slice %arg8[%dma_start3A_11, %dma_start3A_13, %dma_start3A_14] : memref<2x80x128xf32, #tpu.memory_space<vmem>> -> memref<1x80x128xf32, #tpu.memory_space<vmem>>
      %dma_start3A_16 = tpu.memref_squeeze %dma_start3A_15 : memref<1x80x128xf32, #tpu.memory_space<vmem>> -> memref<80x128xf32, #tpu.memory_space<vmem>>
      %dma_start3A_17 = arith.constant 0 : i32
      %dma_start3A_18 = tpu.memref_slice %arg7[%dma_start3A, %dma_start3A_9, %dma_start3A_10, %dma_start3A_17] : memref<2x2x10x80xi32, #tpu.memory_space<vmem>> -> memref<1x1x1x80xi32, #tpu.memory_space<vmem>>
      %dma_start3A_19 = tpu.memref_squeeze %dma_start3A_18 : memref<1x1x1x80xi32, #tpu.memory_space<vmem>> -> memref<80xi32, #tpu.memory_space<vmem>>
      %dma_start3A_20 = arith.constant 0 : i32
      %dma_start3A_21 = arith.constant 0 : i32
      %dma_start3A_22 = tpu.memref_slice %arg3[%dma_start3A_20, %dma_start3A_21] : memref<10240x128xf32, #tpu.memory_space<hbm>> -> memref<10240x128xf32, #tpu.memory_space<hbm>>
      %dma_start3A_23 = tpu.memref_slice %arg10[%dma_start3A_12] : memref<2x!tpu.dma_semaphore, #tpu.memory_space<semaphore_mem>> -> memref<1x!tpu.dma_semaphore, #tpu.memory_space<semaphore_mem>>
      %dma_start3A_24 = tpu.memref_squeeze %dma_start3A_23 : memref<1x!tpu.dma_semaphore, #tpu.memory_space<semaphore_mem>> -> memref<!tpu.dma_semaphore, #tpu.memory_space<semaphore_mem>>
      tpu.enqueue_indirect_dma source(%dma_start3A_22 : memref<10240x128xf32, #tpu.memory_space<hbm>>) target(%dma_start3A_16 : memref<80x128xf32, #tpu.memory_space<vmem>>) offsets(%dma_start3A_19 : memref<80xi32, #tpu.memory_space<vmem>>) semaphore(%dma_start3A_24 : memref<!tpu.dma_semaphore, #tpu.memory_space<semaphore_mem>>)
      %scan3A = arith.constant 0 : i32
      %scan3A_25 = arith.constant 125 : i32
      %scan3A_26 = arith.addi %scan3A, %scan3A_25 : i32
      %scan3A_27 = arith.constant 1 : i32
      scf.for %scan3A_48 = %scan3A to %scan3A_26 step %scan3A_27  : i32 {
        %mul3A_49 = arith.constant 1 : i32
        %mul3A_50 = arith.muli %scan3A_48, %mul3A_49 : i32
        %add3A = arith.constant 0 : i32
        %add3A_51 = arith.addi %add3A, %mul3A_50 : i32
        %div3A = arith.constant 5 : i32
        %div3A_52 = arith.divsi %add3A_51, %div3A : i32
        %rem3A = arith.constant 5 : i32
        %rem3A_53 = arith.remsi %add3A_51, %rem3A : i32
        %mul3A_54 = arith.constant 2 : i32
        %mul3A_55 = arith.muli %mul3A_54, %rem3A_53 : i32
        %rem3A_56 = arith.constant 2 : i32
        %rem3A_57 = arith.remsi %div3A_52, %rem3A_56 : i32
        %eq3A_58 = arith.constant 0 : i32
        %eq3A_59 = arith.cmpi eq, %mul3A_55, %eq3A_58 : i32
        %dma_wait3A_60 = arith.constant 0 : i32
        %dma_wait3A_61 = arith.constant 0 : i32
        %dma_wait3A_62 = arith.constant 0 : i32
        %dma_wait3A_63 = arith.constant 0 : i32
        %dma_wait3A_64 = arith.constant 0 : i32
        %dma_wait3A_65 = tpu.memref_slice %arg8[%dma_wait3A_61, %dma_wait3A_63, %dma_wait3A_64] : memref<2x80x128xf32, #tpu.memory_space<vmem>> -> memref<1x80x128xf32, #tpu.memory_space<vmem>>
        %dma_wait3A_66 = tpu.memref_squeeze %dma_wait3A_65 : memref<1x80x128xf32, #tpu.memory_space<vmem>> -> memref<80x128xf32, #tpu.memory_space<vmem>>
        %dma_wait3A_67 = arith.constant 0 : i32
        %dma_wait3A_68 = tpu.memref_slice %arg7[%rem3A_57, %dma_wait3A_60, %mul3A_55, %dma_wait3A_67] : memref<2x2x10x80xi32, #tpu.memory_space<vmem>> -> memref<1x1x1x80xi32, #tpu.memory_space<vmem>>
        %dma_wait3A_69 = tpu.memref_squeeze %dma_wait3A_68 : memref<1x1x1x80xi32, #tpu.memory_space<vmem>> -> memref<80xi32, #tpu.memory_space<vmem>>
        %dma_wait3A_70 = arith.constant 0 : i32
        %dma_wait3A_71 = arith.constant 0 : i32
        %dma_wait3A_72 = tpu.memref_slice %arg3[%dma_wait3A_70, %dma_wait3A_71] : memref<10240x128xf32, #tpu.memory_space<hbm>> -> memref<10240x128xf32, #tpu.memory_space<hbm>>
        %dma_wait3A_73 = tpu.memref_slice %arg10[%dma_wait3A_62] : memref<2x!tpu.dma_semaphore, #tpu.memory_space<semaphore_mem>> -> memref<1x!tpu.dma_semaphore, #tpu.memory_space<semaphore_mem>>
        %dma_wait3A_74 = tpu.memref_squeeze %dma_wait3A_73 : memref<1x!tpu.dma_semaphore, #tpu.memory_space<semaphore_mem>> -> memref<!tpu.dma_semaphore, #tpu.memory_space<semaphore_mem>>
        tpu.wait_indirect_dma semaphore(%dma_wait3A_74 : memref<!tpu.dma_semaphore, #tpu.memory_space<semaphore_mem>>) src(%dma_wait3A_72 : memref<10240x128xf32, #tpu.memory_space<hbm>>) dst(%dma_wait3A_66 : memref<80x128xf32, #tpu.memory_space<vmem>>)
        %dma_start3A_75 = arith.constant 0 : i32
        %dma_start3A_76 = arith.constant 1 : i32
        %dma_start3A_77 = arith.constant 0 : i32
        %dma_start3A_78 = arith.constant 0 : i32
        %dma_start3A_79 = arith.constant 0 : i32
        %dma_start3A_80 = tpu.memref_slice %arg8[%dma_start3A_75, %dma_start3A_78, %dma_start3A_79] : memref<2x80x128xf32, #tpu.memory_space<vmem>> -> memref<1x80x128xf32, #tpu.memory_space<vmem>>
        %dma_start3A_81 = tpu.memref_squeeze %dma_start3A_80 : memref<1x80x128xf32, #tpu.memory_space<vmem>> -> memref<80x128xf32, #tpu.memory_space<vmem>>
        %dma_start3A_82 = arith.constant 0 : i32
        %dma_start3A_83 = tpu.memref_slice %arg7[%rem3A_57, %dma_start3A_76, %mul3A_55, %dma_start3A_82] : memref<2x2x10x80xi32, #tpu.memory_space<vmem>> -> memref<1x1x1x80xi32, #tpu.memory_space<vmem>>
        %dma_start3A_84 = tpu.memref_squeeze %dma_start3A_83 : memref<1x1x1x80xi32, #tpu.memory_space<vmem>> -> memref<80xi32, #tpu.memory_space<vmem>>
        %dma_start3A_85 = arith.constant 0 : i32
        %dma_start3A_86 = arith.constant 0 : i32
        %dma_start3A_87 = tpu.memref_slice %arg9[%dma_start3A_85, %dma_start3A_86] : memref<10112x128xf32, #tpu.memory_space<vmem_shared>> -> memref<10112x128xf32, #tpu.memory_space<vmem_shared>>
        %dma_start3A_88 = tpu.memref_slice %arg11[%dma_start3A_77] : memref<2x!tpu.dma_semaphore, #tpu.memory_space<semaphore_mem>> -> memref<1x!tpu.dma_semaphore, #tpu.memory_space<semaphore_mem>>
        %dma_start3A_89 = tpu.memref_squeeze %dma_start3A_88 : memref<1x!tpu.dma_semaphore, #tpu.memory_space<semaphore_mem>> -> memref<!tpu.dma_semaphore, #tpu.memory_space<semaphore_mem>>
        tpu.enqueue_indirect_dma source(%dma_start3A_81 : memref<80x128xf32, #tpu.memory_space<vmem>>) target(%dma_start3A_87 : memref<10112x128xf32, #tpu.memory_space<vmem_shared>>) offsets(%dma_start3A_84 : memref<80xi32, #tpu.memory_space<vmem>>) semaphore(%dma_start3A_89 : memref<!tpu.dma_semaphore, #tpu.memory_space<semaphore_mem>>) {add = true}
        %gt3A = arith.constant 0 : i32
        %gt3A_90 = arith.cmpi sgt, %add3A_51, %gt3A : i32
        %convert_element_type3A_91 = arith.extui %gt3A_90 : i1 to i32
        %cond3A_92 = arith.constant 0 : i32
        %cond3A_93 = arith.cmpi ne, %convert_element_type3A_91, %cond3A_92 : i32
        scf.if %cond3A_93 {
          %sub3A = arith.constant 1 : i32
          %sub3A_167 = arith.subi %sub3A, %rem3A_57 : i32
          %select_n3A = arith.select %eq3A_59, %sub3A_167, %rem3A_57 : i32
          %sub3A_168 = arith.constant 1 : i32
          %sub3A_169 = arith.subi %mul3A_55, %sub3A_168 : i32
          %jit3A = arith.constant 9 : i32
          %select_n3A_170 = arith.select %eq3A_59, %jit3A, %sub3A_169 : i32
          %dma_wait3A_171 = arith.constant 1 : i32
          %dma_wait3A_172 = arith.constant 1 : i32
          %dma_wait3A_173 = arith.constant 1 : i32
          %dma_wait3A_174 = arith.constant 0 : i32
          %dma_wait3A_175 = arith.constant 0 : i32
          %dma_wait3A_176 = tpu.memref_slice %arg8[%dma_wait3A_171, %dma_wait3A_174, %dma_wait3A_175] : memref<2x80x128xf32, #tpu.memory_space<vmem>> -> memref<1x80x128xf32, #tpu.memory_space<vmem>>
          %dma_wait3A_177 = tpu.memref_squeeze %dma_wait3A_176 : memref<1x80x128xf32, #tpu.memory_space<vmem>> -> memref<80x128xf32, #tpu.memory_space<vmem>>
          %dma_wait3A_178 = arith.constant 0 : i32
          %dma_wait3A_179 = tpu.memref_slice %arg7[%select_n3A, %dma_wait3A_172, %select_n3A_170, %dma_wait3A_178] : memref<2x2x10x80xi32, #tpu.memory_space<vmem>> -> memref<1x1x1x80xi32, #tpu.memory_space<vmem>>
          %dma_wait3A_180 = tpu.memref_squeeze %dma_wait3A_179 : memref<1x1x1x80xi32, #tpu.memory_space<vmem>> -> memref<80xi32, #tpu.memory_space<vmem>>
          %dma_wait3A_181 = arith.constant 0 : i32
          %dma_wait3A_182 = arith.constant 0 : i32
          %dma_wait3A_183 = tpu.memref_slice %arg9[%dma_wait3A_181, %dma_wait3A_182] : memref<10112x128xf32, #tpu.memory_space<vmem_shared>> -> memref<10112x128xf32, #tpu.memory_space<vmem_shared>>
          %dma_wait3A_184 = tpu.memref_slice %arg11[%dma_wait3A_173] : memref<2x!tpu.dma_semaphore, #tpu.memory_space<semaphore_mem>> -> memref<1x!tpu.dma_semaphore, #tpu.memory_space<semaphore_mem>>
          %dma_wait3A_185 = tpu.memref_squeeze %dma_wait3A_184 : memref<1x!tpu.dma_semaphore, #tpu.memory_space<semaphore_mem>> -> memref<!tpu.dma_semaphore, #tpu.memory_space<semaphore_mem>>
          tpu.wait_indirect_dma semaphore(%dma_wait3A_185 : memref<!tpu.dma_semaphore, #tpu.memory_space<semaphore_mem>>) src(%dma_wait3A_177 : memref<80x128xf32, #tpu.memory_space<vmem>>) dst(%dma_wait3A_183 : memref<10112x128xf32, #tpu.memory_space<vmem_shared>>)
        } else {
        }
        %lt3A = arith.constant 24 : i32
        %lt3A_94 = arith.cmpi slt, %div3A_52, %lt3A : i32
        %and3A = arith.andi %eq3A_59, %lt3A_94 : i1
        %convert_element_type3A_95 = arith.extui %and3A : i1 to i32
        %cond3A_96 = arith.constant 0 : i32
        %cond3A_97 = arith.cmpi ne, %convert_element_type3A_95, %cond3A_96 : i32
        scf.if %cond3A_97 {
          %add3A_167 = arith.constant 1 : i32
          %add3A_168 = arith.addi %div3A_52, %add3A_167 : i32
          %sub3A = arith.constant 1 : i32
          %sub3A_169 = arith.subi %sub3A, %rem3A_57 : i32
          "tpu.region"() ({
            %run_scoped3A_170 = tpu.sem_alloc : memref<!tpu.dma_semaphore, #tpu.memory_space<semaphore_mem>>
            %dma_start3A_171 = arith.constant 0 : i32
            %dma_start3A_172 = arith.constant 0 : i32
            %dma_start3A_173 = arith.constant 0 : i32
            %dma_start3A_174 = tpu.memref_slice %arg7[%sub3A_169, %dma_start3A_171, %dma_start3A_172, %dma_start3A_173] : memref<2x2x10x80xi32, #tpu.memory_space<vmem>> -> memref<1x2x10x80xi32, #tpu.memory_space<vmem>>
            %dma_start3A_175 = tpu.memref_squeeze %dma_start3A_174 : memref<1x2x10x80xi32, #tpu.memory_space<vmem>> -> memref<2x10x80xi32, #tpu.memory_space<vmem>>
            %dma_start3A_176 = arith.constant 0 : i32
            %dma_start3A_177 = arith.constant 0 : i32
            %dma_start3A_178 = arith.constant 0 : i32
            %dma_start3A_179 = tpu.memref_slice %arg4[%arg1, %add3A_168, %dma_start3A_176, %dma_start3A_177, %dma_start3A_178] : memref<16x25x2x10x80xi32, #tpu.memory_space<hbm>> -> memref<1x1x2x10x80xi32, #tpu.memory_space<hbm>>
            %dma_start3A_180 = tpu.memref_squeeze %dma_start3A_179 : memref<1x1x2x10x80xi32, #tpu.memory_space<hbm>> -> memref<2x10x80xi32, #tpu.memory_space<hbm>>
            %dma_start3A_181 = arith.constant 0 : i32
            %dma_start3A_182 = arith.constant 0 : i32
            %dma_start3A_183 = arith.constant 0 : i32
            %dma_start3A_184 = tpu.memref_slice %arg7[%sub3A_169, %dma_start3A_181, %dma_start3A_182, %dma_start3A_183] : memref<2x2x10x80xi32, #tpu.memory_space<vmem>> -> memref<1x2x10x80xi32, #tpu.memory_space<vmem>>
            %dma_start3A_185 = tpu.memref_squeeze %dma_start3A_184 : memref<1x2x10x80xi32, #tpu.memory_space<vmem>> -> memref<2x10x80xi32, #tpu.memory_space<vmem>>
            %dma_start3A_186 = arith.constant 0 : i32
            %dma_start3A_187 = arith.constant 0 : i32
            %dma_start3A_188 = arith.constant 0 : i32
            %dma_start3A_189 = tpu.memref_slice %arg4[%arg1, %add3A_168, %dma_start3A_186, %dma_start3A_187, %dma_start3A_188] : memref<16x25x2x10x80xi32, #tpu.memory_space<hbm>> -> memref<1x1x2x10x80xi32, #tpu.memory_space<hbm>>
            %dma_start3A_190 = tpu.memref_squeeze %dma_start3A_189 : memref<1x1x2x10x80xi32, #tpu.memory_space<hbm>> -> memref<2x10x80xi32, #tpu.memory_space<hbm>>
            tpu.enqueue_dma source(%dma_start3A_190 : memref<2x10x80xi32, #tpu.memory_space<hbm>>) target(%dma_start3A_185 : memref<2x10x80xi32, #tpu.memory_space<vmem>>) target_semaphore(%run_scoped3A_170 : memref<!tpu.dma_semaphore, #tpu.memory_space<semaphore_mem>>)
            %dma_wait3A_191 = arith.constant 0 : i32
            %dma_wait3A_192 = arith.constant 0 : i32
            %dma_wait3A_193 = arith.constant 0 : i32
            %dma_wait3A_194 = tpu.memref_slice %arg7[%sub3A_169, %dma_wait3A_191, %dma_wait3A_192, %dma_wait3A_193] : memref<2x2x10x80xi32, #tpu.memory_space<vmem>> -> memref<1x2x10x80xi32, #tpu.memory_space<vmem>>
            %dma_wait3A_195 = tpu.memref_squeeze %dma_wait3A_194 : memref<1x2x10x80xi32, #tpu.memory_space<vmem>> -> memref<2x10x80xi32, #tpu.memory_space<vmem>>
            %dma_wait3A_196 = arith.constant 0 : i32
            %dma_wait3A_197 = arith.constant 0 : i32
            %dma_wait3A_198 = arith.constant 0 : i32
            %dma_wait3A_199 = tpu.memref_slice %arg4[%arg1, %add3A_168, %dma_wait3A_196, %dma_wait3A_197, %dma_wait3A_198] : memref<16x25x2x10x80xi32, #tpu.memory_space<hbm>> -> memref<1x1x2x10x80xi32, #tpu.memory_space<hbm>>
            %dma_wait3A_200 = tpu.memref_squeeze %dma_wait3A_199 : memref<1x1x2x10x80xi32, #tpu.memory_space<hbm>> -> memref<2x10x80xi32, #tpu.memory_space<hbm>>
            %dma_wait3A_201 = arith.constant 0 : i32
            %dma_wait3A_202 = arith.constant 0 : i32
            %dma_wait3A_203 = arith.constant 0 : i32
            %dma_wait3A_204 = tpu.memref_slice %arg7[%sub3A_169, %dma_wait3A_201, %dma_wait3A_202, %dma_wait3A_203] : memref<2x2x10x80xi32, #tpu.memory_space<vmem>> -> memref<1x2x10x80xi32, #tpu.memory_space<vmem>>
            %dma_wait3A_205 = tpu.memref_squeeze %dma_wait3A_204 : memref<1x2x10x80xi32, #tpu.memory_space<vmem>> -> memref<2x10x80xi32, #tpu.memory_space<vmem>>
            %dma_wait3A_206 = arith.constant 0 : i32
            %dma_wait3A_207 = arith.constant 0 : i32
            %dma_wait3A_208 = arith.constant 0 : i32
            %dma_wait3A_209 = tpu.memref_slice %arg4[%arg1, %add3A_168, %dma_wait3A_206, %dma_wait3A_207, %dma_wait3A_208] : memref<16x25x2x10x80xi32, #tpu.memory_space<hbm>> -> memref<1x1x2x10x80xi32, #tpu.memory_space<hbm>>
            %dma_wait3A_210 = tpu.memref_squeeze %dma_wait3A_209 : memref<1x1x2x10x80xi32, #tpu.memory_space<hbm>> -> memref<2x10x80xi32, #tpu.memory_space<hbm>>
            tpu.wait_dma2 semaphore(%run_scoped3A_170 : memref<!tpu.dma_semaphore, #tpu.memory_space<semaphore_mem>>) src(%dma_wait3A_210 : memref<2x10x80xi32, #tpu.memory_space<hbm>>) dst(%dma_wait3A_205 : memref<2x10x80xi32, #tpu.memory_space<vmem>>)
            tpu.yield
          }) : () -> ()
        } else {
        }
        %add3A_98 = arith.constant 1 : i32
        %add3A_99 = arith.addi %mul3A_55, %add3A_98 : i32
        %dma_start3A_100 = arith.constant 0 : i32
        %dma_start3A_101 = arith.constant 1 : i32
        %dma_start3A_102 = arith.constant 1 : i32
        %dma_start3A_103 = arith.constant 0 : i32
        %dma_start3A_104 = arith.constant 0 : i32
        %dma_start3A_105 = tpu.memref_slice %arg8[%dma_start3A_101, %dma_start3A_103, %dma_start3A_104] : memref<2x80x128xf32, #tpu.memory_space<vmem>> -> memref<1x80x128xf32, #tpu.memory_space<vmem>>
        %dma_start3A_106 = tpu.memref_squeeze %dma_start3A_105 : memref<1x80x128xf32, #tpu.memory_space<vmem>> -> memref<80x128xf32, #tpu.memory_space<vmem>>
        %dma_start3A_107 = arith.constant 0 : i32
        %dma_start3A_108 = tpu.memref_slice %arg7[%rem3A_57, %dma_start3A_100, %add3A_99, %dma_start3A_107] : memref<2x2x10x80xi32, #tpu.memory_space<vmem>> -> memref<1x1x1x80xi32, #tpu.memory_space<vmem>>
        %dma_start3A_109 = tpu.memref_squeeze %dma_start3A_108 : memref<1x1x1x80xi32, #tpu.memory_space<vmem>> -> memref<80xi32, #tpu.memory_space<vmem>>
        %dma_start3A_110 = arith.constant 0 : i32
        %dma_start3A_111 = arith.constant 0 : i32
        %dma_start3A_112 = tpu.memref_slice %arg3[%dma_start3A_110, %dma_start3A_111] : memref<10240x128xf32, #tpu.memory_space<hbm>> -> memref<10240x128xf32, #tpu.memory_space<hbm>>
        %dma_start3A_113 = tpu.memref_slice %arg10[%dma_start3A_102] : memref<2x!tpu.dma_semaphore, #tpu.memory_space<semaphore_mem>> -> memref<1x!tpu.dma_semaphore, #tpu.memory_space<semaphore_mem>>
        %dma_start3A_114 = tpu.memref_squeeze %dma_start3A_113 : memref<1x!tpu.dma_semaphore, #tpu.memory_space<semaphore_mem>> -> memref<!tpu.dma_semaphore, #tpu.memory_space<semaphore_mem>>
        tpu.enqueue_indirect_dma source(%dma_start3A_112 : memref<10240x128xf32, #tpu.memory_space<hbm>>) target(%dma_start3A_106 : memref<80x128xf32, #tpu.memory_space<vmem>>) offsets(%dma_start3A_109 : memref<80xi32, #tpu.memory_space<vmem>>) semaphore(%dma_start3A_114 : memref<!tpu.dma_semaphore, #tpu.memory_space<semaphore_mem>>)
        %dma_wait3A_115 = arith.constant 0 : i32
        %dma_wait3A_116 = arith.constant 1 : i32
        %dma_wait3A_117 = arith.constant 1 : i32
        %dma_wait3A_118 = arith.constant 0 : i32
        %dma_wait3A_119 = arith.constant 0 : i32
        %dma_wait3A_120 = tpu.memref_slice %arg8[%dma_wait3A_116, %dma_wait3A_118, %dma_wait3A_119] : memref<2x80x128xf32, #tpu.memory_space<vmem>> -> memref<1x80x128xf32, #tpu.memory_space<vmem>>
        %dma_wait3A_121 = tpu.memref_squeeze %dma_wait3A_120 : memref<1x80x128xf32, #tpu.memory_space<vmem>> -> memref<80x128xf32, #tpu.memory_space<vmem>>
        %dma_wait3A_122 = arith.constant 0 : i32
        %dma_wait3A_123 = tpu.memref_slice %arg7[%rem3A_57, %dma_wait3A_115, %add3A_99, %dma_wait3A_122] : memref<2x2x10x80xi32, #tpu.memory_space<vmem>> -> memref<1x1x1x80xi32, #tpu.memory_space<vmem>>
        %dma_wait3A_124 = tpu.memref_squeeze %dma_wait3A_123 : memref<1x1x1x80xi32, #tpu.memory_space<vmem>> -> memref<80xi32, #tpu.memory_space<vmem>>
        %dma_wait3A_125 = arith.constant 0 : i32
        %dma_wait3A_126 = arith.constant 0 : i32
        %dma_wait3A_127 = tpu.memref_slice %arg3[%dma_wait3A_125, %dma_wait3A_126] : memref<10240x128xf32, #tpu.memory_space<hbm>> -> memref<10240x128xf32, #tpu.memory_space<hbm>>
        %dma_wait3A_128 = tpu.memref_slice %arg10[%dma_wait3A_117] : memref<2x!tpu.dma_semaphore, #tpu.memory_space<semaphore_mem>> -> memref<1x!tpu.dma_semaphore, #tpu.memory_space<semaphore_mem>>
        %dma_wait3A_129 = tpu.memref_squeeze %dma_wait3A_128 : memref<1x!tpu.dma_semaphore, #tpu.memory_space<semaphore_mem>> -> memref<!tpu.dma_semaphore, #tpu.memory_space<semaphore_mem>>
        tpu.wait_indirect_dma semaphore(%dma_wait3A_129 : memref<!tpu.dma_semaphore, #tpu.memory_space<semaphore_mem>>) src(%dma_wait3A_127 : memref<10240x128xf32, #tpu.memory_space<hbm>>) dst(%dma_wait3A_121 : memref<80x128xf32, #tpu.memory_space<vmem>>)
        %dma_wait3A_130 = arith.constant 0 : i32
        %dma_wait3A_131 = arith.constant 1 : i32
        %dma_wait3A_132 = arith.constant 0 : i32
        %dma_wait3A_133 = arith.constant 0 : i32
        %dma_wait3A_134 = arith.constant 0 : i32
        %dma_wait3A_135 = tpu.memref_slice %arg8[%dma_wait3A_130, %dma_wait3A_133, %dma_wait3A_134] : memref<2x80x128xf32, #tpu.memory_space<vmem>> -> memref<1x80x128xf32, #tpu.memory_space<vmem>>
        %dma_wait3A_136 = tpu.memref_squeeze %dma_wait3A_135 : memref<1x80x128xf32, #tpu.memory_space<vmem>> -> memref<80x128xf32, #tpu.memory_space<vmem>>
        %dma_wait3A_137 = arith.constant 0 : i32
        %dma_wait3A_138 = tpu.memref_slice %arg7[%rem3A_57, %dma_wait3A_131, %mul3A_55, %dma_wait3A_137] : memref<2x2x10x80xi32, #tpu.memory_space<vmem>> -> memref<1x1x1x80xi32, #tpu.memory_space<vmem>>
        %dma_wait3A_139 = tpu.memref_squeeze %dma_wait3A_138 : memref<1x1x1x80xi32, #tpu.memory_space<vmem>> -> memref<80xi32, #tpu.memory_space<vmem>>
        %dma_wait3A_140 = arith.constant 0 : i32
        %dma_wait3A_141 = arith.constant 0 : i32
        %dma_wait3A_142 = tpu.memref_slice %arg9[%dma_wait3A_140, %dma_wait3A_141] : memref<10112x128xf32, #tpu.memory_space<vmem_shared>> -> memref<10112x128xf32, #tpu.memory_space<vmem_shared>>
        %dma_wait3A_143 = tpu.memref_slice %arg11[%dma_wait3A_132] : memref<2x!tpu.dma_semaphore, #tpu.memory_space<semaphore_mem>> -> memref<1x!tpu.dma_semaphore, #tpu.memory_space<semaphore_mem>>
        %dma_wait3A_144 = tpu.memref_squeeze %dma_wait3A_143 : memref<1x!tpu.dma_semaphore, #tpu.memory_space<semaphore_mem>> -> memref<!tpu.dma_semaphore, #tpu.memory_space<semaphore_mem>>
        tpu.wait_indirect_dma semaphore(%dma_wait3A_144 : memref<!tpu.dma_semaphore, #tpu.memory_space<semaphore_mem>>) src(%dma_wait3A_136 : memref<80x128xf32, #tpu.memory_space<vmem>>) dst(%dma_wait3A_142 : memref<10112x128xf32, #tpu.memory_space<vmem_shared>>)
        %add3A_145 = arith.constant 1 : i32
        %add3A_146 = arith.addi %mul3A_55, %add3A_145 : i32
        %dma_start3A_147 = arith.constant 1 : i32
        %dma_start3A_148 = arith.constant 1 : i32
        %dma_start3A_149 = arith.constant 1 : i32
        %dma_start3A_150 = arith.constant 0 : i32
        %dma_start3A_151 = arith.constant 0 : i32
        %dma_start3A_152 = tpu.memref_slice %arg8[%dma_start3A_147, %dma_start3A_150, %dma_start3A_151] : memref<2x80x128xf32, #tpu.memory_space<vmem>> -> memref<1x80x128xf32, #tpu.memory_space<vmem>>
        %dma_start3A_153 = tpu.memref_squeeze %dma_start3A_152 : memref<1x80x128xf32, #tpu.memory_space<vmem>> -> memref<80x128xf32, #tpu.memory_space<vmem>>
        %dma_start3A_154 = arith.constant 0 : i32
        %dma_start3A_155 = tpu.memref_slice %arg7[%rem3A_57, %dma_start3A_148, %add3A_146, %dma_start3A_154] : memref<2x2x10x80xi32, #tpu.memory_space<vmem>> -> memref<1x1x1x80xi32, #tpu.memory_space<vmem>>
        %dma_start3A_156 = tpu.memref_squeeze %dma_start3A_155 : memref<1x1x1x80xi32, #tpu.memory_space<vmem>> -> memref<80xi32, #tpu.memory_space<vmem>>
        %dma_start3A_157 = arith.constant 0 : i32
        %dma_start3A_158 = arith.constant 0 : i32
        %dma_start3A_159 = tpu.memref_slice %arg9[%dma_start3A_157, %dma_start3A_158] : memref<10112x128xf32, #tpu.memory_space<vmem_shared>> -> memref<10112x128xf32, #tpu.memory_space<vmem_shared>>
        %dma_start3A_160 = tpu.memref_slice %arg11[%dma_start3A_149] : memref<2x!tpu.dma_semaphore, #tpu.memory_space<semaphore_mem>> -> memref<1x!tpu.dma_semaphore, #tpu.memory_space<semaphore_mem>>
        %dma_start3A_161 = tpu.memref_squeeze %dma_start3A_160 : memref<1x!tpu.dma_semaphore, #tpu.memory_space<semaphore_mem>> -> memref<!tpu.dma_semaphore, #tpu.memory_space<semaphore_mem>>
        tpu.enqueue_indirect_dma source(%dma_start3A_153 : memref<80x128xf32, #tpu.memory_space<vmem>>) target(%dma_start3A_159 : memref<10112x128xf32, #tpu.memory_space<vmem_shared>>) offsets(%dma_start3A_156 : memref<80xi32, #tpu.memory_space<vmem>>) semaphore(%dma_start3A_161 : memref<!tpu.dma_semaphore, #tpu.memory_space<semaphore_mem>>) {add = true}
        %lt3A_162 = arith.constant 124 : i32
        %lt3A_163 = arith.cmpi slt, %add3A_51, %lt3A_162 : i32
        %convert_element_type3A_164 = arith.extui %lt3A_163 : i1 to i32
        %cond3A_165 = arith.constant 0 : i32
        %cond3A_166 = arith.cmpi ne, %convert_element_type3A_164, %cond3A_165 : i32
        scf.if %cond3A_166 {
          %mul3A_167 = arith.constant 2 : i32
          %mul3A_168 = arith.muli %mul3A_167, %add3A_51 : i32
          %add3A_169 = arith.constant 2 : i32
          %add3A_170 = arith.addi %mul3A_168, %add3A_169 : i32
          %div3A_171 = arith.constant 10 : i32
          %div3A_172 = arith.divsi %add3A_170, %div3A_171 : i32
          %rem3A_173 = arith.constant 10 : i32
          %rem3A_174 = arith.remsi %add3A_170, %rem3A_173 : i32
          %rem3A_175 = arith.constant 2 : i32
          %rem3A_176 = arith.remsi %div3A_172, %rem3A_175 : i32
          %dma_start3A_177 = arith.constant 0 : i32
          %dma_start3A_178 = arith.constant 0 : i32
          %dma_start3A_179 = arith.constant 0 : i32
          %dma_start3A_180 = arith.constant 0 : i32
          %dma_start3A_181 = arith.constant 0 : i32
          %dma_start3A_182 = tpu.memref_slice %arg8[%dma_start3A_178, %dma_start3A_180, %dma_start3A_181] : memref<2x80x128xf32, #tpu.memory_space<vmem>> -> memref<1x80x128xf32, #tpu.memory_space<vmem>>
          %dma_start3A_183 = tpu.memref_squeeze %dma_start3A_182 : memref<1x80x128xf32, #tpu.memory_space<vmem>> -> memref<80x128xf32, #tpu.memory_space<vmem>>
          %dma_start3A_184 = arith.constant 0 : i32
          %dma_start3A_185 = tpu.memref_slice %arg7[%rem3A_176, %dma_start3A_177, %rem3A_174, %dma_start3A_184] : memref<2x2x10x80xi32, #tpu.memory_space<vmem>> -> memref<1x1x1x80xi32, #tpu.memory_space<vmem>>
          %dma_start3A_186 = tpu.memref_squeeze %dma_start3A_185 : memref<1x1x1x80xi32, #tpu.memory_space<vmem>> -> memref<80xi32, #tpu.memory_space<vmem>>
          %dma_start3A_187 = arith.constant 0 : i32
          %dma_start3A_188 = arith.constant 0 : i32
          %dma_start3A_189 = tpu.memref_slice %arg3[%dma_start3A_187, %dma_start3A_188] : memref<10240x128xf32, #tpu.memory_space<hbm>> -> memref<10240x128xf32, #tpu.memory_space<hbm>>
          %dma_start3A_190 = tpu.memref_slice %arg10[%dma_start3A_179] : memref<2x!tpu.dma_semaphore, #tpu.memory_space<semaphore_mem>> -> memref<1x!tpu.dma_semaphore, #tpu.memory_space<semaphore_mem>>
          %dma_start3A_191 = tpu.memref_squeeze %dma_start3A_190 : memref<1x!tpu.dma_semaphore, #tpu.memory_space<semaphore_mem>> -> memref<!tpu.dma_semaphore, #tpu.memory_space<semaphore_mem>>
          tpu.enqueue_indirect_dma source(%dma_start3A_189 : memref<10240x128xf32, #tpu.memory_space<hbm>>) target(%dma_start3A_183 : memref<80x128xf32, #tpu.memory_space<vmem>>) offsets(%dma_start3A_186 : memref<80xi32, #tpu.memory_space<vmem>>) semaphore(%dma_start3A_191 : memref<!tpu.dma_semaphore, #tpu.memory_space<semaphore_mem>>)
        } else {
        }
      }
      %scan3A_28 = arith.constant 125 : i32
      %dma_wait3A = arith.constant 1 : i32
      %dma_wait3A_29 = arith.constant 0 : i32
      %dma_wait3A_30 = arith.constant 1 : i32
      %dma_wait3A_31 = arith.constant 9 : i32
      %dma_wait3A_32 = arith.constant 1 : i32
      %dma_wait3A_33 = arith.constant 0 : i32
      %dma_wait3A_34 = arith.constant 0 : i32
      %dma_wait3A_35 = tpu.memref_slice %arg8[%dma_wait3A, %dma_wait3A_33, %dma_wait3A_34] : memref<2x80x128xf32, #tpu.memory_space<vmem>> -> memref<1x80x128xf32, #tpu.memory_space<vmem>>
      %dma_wait3A_36 = tpu.memref_squeeze %dma_wait3A_35 : memref<1x80x128xf32, #tpu.memory_space<vmem>> -> memref<80x128xf32, #tpu.memory_space<vmem>>
      %dma_wait3A_37 = arith.constant 0 : i32
      %dma_wait3A_38 = tpu.memref_slice %arg7[%dma_wait3A_29, %dma_wait3A_30, %dma_wait3A_31, %dma_wait3A_37] : memref<2x2x10x80xi32, #tpu.memory_space<vmem>> -> memref<1x1x1x80xi32, #tpu.memory_space<vmem>>
      %dma_wait3A_39 = tpu.memref_squeeze %dma_wait3A_38 : memref<1x1x1x80xi32, #tpu.memory_space<vmem>> -> memref<80xi32, #tpu.memory_space<vmem>>
      %dma_wait3A_40 = arith.constant 0 : i32
      %dma_wait3A_41 = arith.constant 0 : i32
      %dma_wait3A_42 = tpu.memref_slice %arg9[%dma_wait3A_40, %dma_wait3A_41] : memref<10112x128xf32, #tpu.memory_space<vmem_shared>> -> memref<10112x128xf32, #tpu.memory_space<vmem_shared>>
      %dma_wait3A_43 = tpu.memref_slice %arg11[%dma_wait3A_32] : memref<2x!tpu.dma_semaphore, #tpu.memory_space<semaphore_mem>> -> memref<1x!tpu.dma_semaphore, #tpu.memory_space<semaphore_mem>>
      %dma_wait3A_44 = tpu.memref_squeeze %dma_wait3A_43 : memref<1x!tpu.dma_semaphore, #tpu.memory_space<semaphore_mem>> -> memref<!tpu.dma_semaphore, #tpu.memory_space<semaphore_mem>>
      tpu.wait_indirect_dma semaphore(%dma_wait3A_44 : memref<!tpu.dma_semaphore, #tpu.memory_space<semaphore_mem>>) src(%dma_wait3A_36 : memref<80x128xf32, #tpu.memory_space<vmem>>) dst(%dma_wait3A_42 : memref<10112x128xf32, #tpu.memory_space<vmem_shared>>)
      %barrier3A_45 = arith.constant 0 : index
      tpu.barrier barrier_id(%barrier3A_45)
      %mul3A_46 = arith.constant 632 : i32
      %mul3A_47 = arith.muli %arg1, %mul3A_46 : i32
      "tpu.region"() ({
        %run_scoped3A_48 = tpu.sem_alloc : memref<!tpu.dma_semaphore, #tpu.memory_space<semaphore_mem>>
        %dma_start3A_49 = arith.constant 0 : i32
        %dma_start3A_50 = tpu.memref_slice %arg6[%mul3A_47, %dma_start3A_49] : memref<10240x128xf32, #tpu.memory_space<hbm>> -> memref<632x128xf32, #tpu.memory_space<hbm>>
        %dma_start3A_51 = arith.constant 0 : i32
        %dma_start3A_52 = tpu.memref_slice %arg9[%mul3A_0, %dma_start3A_51] : memref<10112x128xf32, #tpu.memory_space<vmem_shared>> -> memref<632x128xf32, #tpu.memory_space<vmem_shared>>
        tpu.enqueue_dma source(%dma_start3A_52 : memref<632x128xf32, #tpu.memory_space<vmem_shared>>) target(%dma_start3A_50 : memref<632x128xf32, #tpu.memory_space<hbm>>) target_semaphore(%run_scoped3A_48 : memref<!tpu.dma_semaphore, #tpu.memory_space<semaphore_mem>>)
        %dma_wait3A_53 = arith.constant 0 : i32
        %dma_wait3A_54 = tpu.memref_slice %arg6[%mul3A_47, %dma_wait3A_53] : memref<10240x128xf32, #tpu.memory_space<hbm>> -> memref<632x128xf32, #tpu.memory_space<hbm>>
        %dma_wait3A_55 = arith.constant 0 : i32
        %dma_wait3A_56 = tpu.memref_slice %arg9[%mul3A_0, %dma_wait3A_55] : memref<10112x128xf32, #tpu.memory_space<vmem_shared>> -> memref<632x128xf32, #tpu.memory_space<vmem_shared>>
        tpu.wait_dma2 semaphore(%run_scoped3A_48 : memref<!tpu.dma_semaphore, #tpu.memory_space<semaphore_mem>>) src(%dma_wait3A_56 : memref<632x128xf32, #tpu.memory_space<vmem_shared>>) dst(%dma_wait3A_54 : memref<632x128xf32, #tpu.memory_space<hbm>>)
        tpu.yield
      }) : () -> ()
    } else {
    }
    return
  }
}

module attributes {stable_mosaic.version = 14 : i64} {
  func.func @_prep_body(%arg0: i32, %arg1: memref<2x1x2048xf32, #tpu.memory_space<vmem>>, %arg2: memref<2048x128xf32, #tpu.memory_space<vmem>>, %arg3: memref<2x128x128xf32, #tpu.memory_space<vmem>>, %arg4: memref<2048x128xf32, #tpu.memory_space<vmem>>, %arg5: memref<2048x128xf32, #tpu.memory_space<vmem>>, %arg6: memref<2048x1xf32, #tpu.memory_space<vmem>>) attributes {dimension_semantics = [#tpu.dimension_semantics<arbitrary>], iteration_bounds = array<i64: 5>, scalar_prefetch = 0 : i64, scratch_operands = 0 : i64, tpu.core_type = #tpu.core_type<tc>, window_params = [{transform_indices = @transform_0, window_bounds = array<i64: 2, 1, 2048>}, {transform_indices = @transform_1, window_bounds = array<i64: 2048, 128>}, {pipeline_mode = #tpu.pipeline_mode<synchronous>, transform_indices = @transform_2, window_bounds = array<i64: 2, 128, 128>}, {transform_indices = @transform_3, window_bounds = array<i64: 2048, 128>}, {transform_indices = @transform_4, window_bounds = array<i64: 2048, 128>}, {transform_indices = @transform_5, window_bounds = array<i64: 2048, 1>}]} {
    %get3A = arith.constant 0 : index
    %get3A_0 = arith.constant 0 : index
    %get3A_1 = arith.constant 0 : index
    %get3A_2 = vector.load %arg1[%get3A, %get3A_0, %get3A_1] : memref<2x1x2048xf32, #tpu.memory_space<vmem>>, vector<1x1x2048xf32>
    %get3A_3 = vector.shape_cast %get3A_2 : vector<1x1x2048xf32> to vector<2048xf32>
    %get3A_4 = arith.constant 1 : index
    %get3A_5 = arith.constant 0 : index
    %get3A_6 = arith.constant 0 : index
    %get3A_7 = vector.load %arg1[%get3A_4, %get3A_5, %get3A_6] : memref<2x1x2048xf32, #tpu.memory_space<vmem>>, vector<1x1x2048xf32>
    %get3A_8 = vector.shape_cast %get3A_7 : vector<1x1x2048xf32> to vector<2048xf32>
    %add3A = arith.addf %get3A_3, %get3A_8 : vector<2048xf32>
    %add3A_9 = arith.constant 1.000000e+00 : f32
    %add3A_10 = vector.broadcast %add3A_9 : f32 to vector<2048xf32>
    %add3A_11 = arith.addf %add3A, %add3A_10 : vector<2048xf32>
    %rsqrt3A = math.rsqrt %add3A_11 : vector<2048xf32>
    %broadcast_in_dim3A = vector.shape_cast %rsqrt3A : vector<2048xf32> to vector<2048x1xf32>
    %get3A_12 = arith.constant 0 : index
    %get3A_13 = arith.constant 0 : index
    %get3A_14 = vector.load %arg2[%get3A_12, %get3A_13] : memref<2048x128xf32, #tpu.memory_space<vmem>>, vector<2048x128xf32>
    %get3A_15 = arith.constant 0 : index
    %get3A_16 = arith.constant 0 : index
    %get3A_17 = arith.constant 0 : index
    %get3A_18 = vector.load %arg3[%get3A_15, %get3A_16, %get3A_17] : memref<2x128x128xf32, #tpu.memory_space<vmem>>, vector<1x128x128xf32>
    %get3A_19 = vector.shape_cast %get3A_18 : vector<1x128x128xf32> to vector<128x128xf32>
    %dot_general3A = arith.constant dense<0.000000e+00> : vector<2048x128xf32>
    %dot_general3A_20 = tpu.matmul %get3A_14, %get3A_19, %dot_general3A {dimension_numbers = #tpu.dot_dimension_numbers<[1], [1], [0], [0], [0, 0, 1, 0], [], []>, transpose_lhs_hint = false} : vector<2048x128xf32>, vector<128x128xf32>, vector<2048x128xf32> -> vector<2048x128xf32>
    %mul3A = vector.broadcast %broadcast_in_dim3A : vector<2048x1xf32> to vector<2048x128xf32>
    %mul3A_21 = arith.mulf %dot_general3A_20, %mul3A : vector<2048x128xf32>
    %swap3A = arith.constant 0 : index
    %swap3A_22 = arith.constant 0 : index
    %swap3A_23 = vector.load %arg4[%swap3A, %swap3A_22] : memref<2048x128xf32, #tpu.memory_space<vmem>>, vector<2048x128xf32>
    tpu.vector_store %arg4[%swap3A, %swap3A_22], %mul3A_21 {strides = array<i32>} : memref<2048x128xf32, #tpu.memory_space<vmem>>, vector<2048x128xf32>,
    %get3A_24 = arith.constant 1 : index
    %get3A_25 = arith.constant 0 : index
    %get3A_26 = arith.constant 0 : index
    %get3A_27 = vector.load %arg3[%get3A_24, %get3A_25, %get3A_26] : memref<2x128x128xf32, #tpu.memory_space<vmem>>, vector<1x128x128xf32>
    %get3A_28 = vector.shape_cast %get3A_27 : vector<1x128x128xf32> to vector<128x128xf32>
    %dot_general3A_29 = arith.constant dense<0.000000e+00> : vector<2048x128xf32>
    %dot_general3A_30 = tpu.matmul %get3A_14, %get3A_28, %dot_general3A_29 {dimension_numbers = #tpu.dot_dimension_numbers<[1], [1], [0], [0], [0, 0, 1, 0], [], []>, transpose_lhs_hint = false} : vector<2048x128xf32>, vector<128x128xf32>, vector<2048x128xf32> -> vector<2048x128xf32>
    %mul3A_31 = vector.broadcast %broadcast_in_dim3A : vector<2048x1xf32> to vector<2048x128xf32>
    %mul3A_32 = arith.mulf %dot_general3A_30, %mul3A_31 : vector<2048x128xf32>
    %swap3A_33 = arith.constant 0 : index
    %swap3A_34 = arith.constant 0 : index
    %swap3A_35 = vector.load %arg5[%swap3A_33, %swap3A_34] : memref<2048x128xf32, #tpu.memory_space<vmem>>, vector<2048x128xf32>
    tpu.vector_store %arg5[%swap3A_33, %swap3A_34], %mul3A_32 {strides = array<i32>} : memref<2048x128xf32, #tpu.memory_space<vmem>>, vector<2048x128xf32>,
    %swap3A_36 = arith.constant 0 : index
    %swap3A_37 = arith.constant 0 : index
    %swap3A_38 = vector.load %arg6[%swap3A_36, %swap3A_37] : memref<2048x1xf32, #tpu.memory_space<vmem>>, vector<2048x1xf32>
    tpu.vector_store %arg6[%swap3A_36, %swap3A_37], %broadcast_in_dim3A {strides = array<i32>} : memref<2048x1xf32, #tpu.memory_space<vmem>>, vector<2048x1xf32>,
    return
  }
  func.func @transform_0(%arg0: i32) -> (i32, i32, i32) {
    %c0_i32 = arith.constant 0 : i32
    %c0_i32_0 = arith.constant 0 : i32
    %c0_i32_1 = arith.constant 0 : i32
    return %c0_i32, %c0_i32_0, %arg0 : i32, i32, i32
  }
  func.func @transform_1(%arg0: i32) -> (i32, i32) {
    %c0_i32 = arith.constant 0 : i32
    %c0_i32_0 = arith.constant 0 : i32
    return %arg0, %c0_i32 : i32, i32
  }
  func.func @transform_2(%arg0: i32) -> (i32, i32, i32) {
    %c0_i32 = arith.constant 0 : i32
    %c0_i32_0 = arith.constant 0 : i32
    %c0_i32_1 = arith.constant 0 : i32
    %c0_i32_2 = arith.constant 0 : i32
    return %c0_i32, %c0_i32_0, %c0_i32_1 : i32, i32, i32
  }
  func.func @transform_3(%arg0: i32) -> (i32, i32) {
    %c0_i32 = arith.constant 0 : i32
    %c0_i32_0 = arith.constant 0 : i32
    return %arg0, %c0_i32 : i32, i32
  }
  func.func @transform_4(%arg0: i32) -> (i32, i32) {
    %c0_i32 = arith.constant 0 : i32
    %c0_i32_0 = arith.constant 0 : i32
    return %arg0, %c0_i32 : i32, i32
  }
  func.func @transform_5(%arg0: i32) -> (i32, i32) {
    %c0_i32 = arith.constant 0 : i32
    %c0_i32_0 = arith.constant 0 : i32
    return %arg0, %c0_i32 : i32, i32
  }
}

module attributes {stable_mosaic.version = 14 : i64} {
  func.func @_heads_body(%arg0: i32, %arg1: memref<2048x128xf32, #tpu.memory_space<vmem>>, %arg2: memref<2048x128xf32, #tpu.memory_space<vmem>>, %arg3: memref<2048x1xf32, #tpu.memory_space<vmem>>, %arg4: memref<2048x128xf32, #tpu.memory_space<vmem>>, %arg5: memref<128xf32, #tpu.memory_space<vmem>>, %arg6: memref<128xf32, #tpu.memory_space<vmem>>, %arg7: memref<32x128xf32, #tpu.memory_space<vmem>>, %arg8: memref<32xf32, #tpu.memory_space<vmem>>, %arg9: memref<32x32xf32, #tpu.memory_space<vmem>>, %arg10: memref<32xf32, #tpu.memory_space<vmem>>, %arg11: memref<8x32xf32, #tpu.memory_space<vmem>>, %arg12: memref<1xf32, #tpu.memory_space<vmem>>, %arg13: memref<32x128xf32, #tpu.memory_space<vmem>>, %arg14: memref<32xf32, #tpu.memory_space<vmem>>, %arg15: memref<32x32xf32, #tpu.memory_space<vmem>>, %arg16: memref<32xf32, #tpu.memory_space<vmem>>, %arg17: memref<8x32xf32, #tpu.memory_space<vmem>>, %arg18: memref<1xf32, #tpu.memory_space<vmem>>, %arg19: memref<2048x8xf32, #tpu.memory_space<vmem>>, %arg20: memref<8x8xf32, #tpu.memory_space<vmem>>, %arg21: memref<1x128xf32, #tpu.memory_space<vmem>>) attributes {dimension_semantics = [#tpu.dimension_semantics<arbitrary>], iteration_bounds = array<i64: 5>, scalar_prefetch = 0 : i64, scratch_operands = 1 : i64, tpu.core_type = #tpu.core_type<tc>, window_params = [{transform_indices = @transform_0, window_bounds = array<i64: 2048, 128>}, {transform_indices = @transform_1, window_bounds = array<i64: 2048, 128>}, {transform_indices = @transform_2, window_bounds = array<i64: 2048, 1>}, {transform_indices = @transform_3, window_bounds = array<i64: 2048, 128>}, {pipeline_mode = #tpu.pipeline_mode<synchronous>, transform_indices = @transform_4, window_bounds = array<i64: 128>}, {pipeline_mode = #tpu.pipeline_mode<synchronous>, transform_indices = @transform_5, window_bounds = array<i64: 128>}, {pipeline_mode = #tpu.pipeline_mode<synchronous>, transform_indices = @transform_6, window_bounds = array<i64: 32, 128>}, {pipeline_mode = #tpu.pipeline_mode<synchronous>, transform_indices = @transform_7, window_bounds = array<i64: 32>}, {pipeline_mode = #tpu.pipeline_mode<synchronous>, transform_indices = @transform_8, window_bounds = array<i64: 32, 32>}, {pipeline_mode = #tpu.pipeline_mode<synchronous>, transform_indices = @transform_9, window_bounds = array<i64: 32>}, {pipeline_mode = #tpu.pipeline_mode<synchronous>, transform_indices = @transform_10, window_bounds = array<i64: 8, 32>}, {pipeline_mode = #tpu.pipeline_mode<synchronous>, transform_indices = @transform_11, window_bounds = array<i64: 1>}, {pipeline_mode = #tpu.pipeline_mode<synchronous>, transform_indices = @transform_12, window_bounds = array<i64: 32, 128>}, {pipeline_mode = #tpu.pipeline_mode<synchronous>, transform_indices = @transform_13, window_bounds = array<i64: 32>}, {pipeline_mode = #tpu.pipeline_mode<synchronous>, transform_indices = @transform_14, window_bounds = array<i64: 32, 32>}, {pipeline_mode = #tpu.pipeline_mode<synchronous>, transform_indices = @transform_15, window_bounds = array<i64: 32>}, {pipeline_mode = #tpu.pipeline_mode<synchronous>, transform_indices = @transform_16, window_bounds = array<i64: 8, 32>}, {pipeline_mode = #tpu.pipeline_mode<synchronous>, transform_indices = @transform_17, window_bounds = array<i64: 1>}, {transform_indices = @transform_18, window_bounds = array<i64: 2048, 8>}, {pipeline_mode = #tpu.pipeline_mode<synchronous>, transform_indices = @transform_19, window_bounds = array<i64: 8, 8>}]} {
    %get3A = arith.constant 0 : index
    %get3A_0 = arith.constant 0 : index
    %get3A_1 = vector.load %arg3[%get3A, %get3A_0] : memref<2048x1xf32, #tpu.memory_space<vmem>>, vector<2048x1xf32>
    %get3A_2 = arith.constant 0 : index
    %get3A_3 = arith.constant 0 : index
    %get3A_4 = vector.load %arg4[%get3A_2, %get3A_3] : memref<2048x128xf32, #tpu.memory_space<vmem>>, vector<2048x128xf32>
    %get3A_5 = arith.constant 0 : index
    %get3A_6 = arith.constant 0 : index
    %get3A_7 = vector.load %arg1[%get3A_5, %get3A_6] : memref<2048x128xf32, #tpu.memory_space<vmem>>, vector<2048x128xf32>
    %mul3A = vector.broadcast %get3A_1 : vector<2048x1xf32> to vector<2048x128xf32>
    %mul3A_8 = arith.mulf %get3A_7, %mul3A : vector<2048x128xf32>
    %get3A_9 = arith.constant 0 : index
    %get3A_10 = vector.load %arg5[%get3A_9] : memref<128xf32, #tpu.memory_space<vmem>>, vector<128xf32>
    %broadcast_in_dim3A = vector.shape_cast %get3A_10 : vector<128xf32> to vector<1x128xf32>
    %add3A = vector.broadcast %broadcast_in_dim3A : vector<1x128xf32> to vector<2048x128xf32>
    %add3A_11 = arith.addf %mul3A_8, %add3A : vector<2048x128xf32>
    %max3A = arith.constant 0.000000e+00 : f32
    %max3A_12 = vector.broadcast %max3A : f32 to vector<2048x128xf32>
    %max3A_13 = arith.maximumf %add3A_11, %max3A_12 : vector<2048x128xf32>
    %add3A_14 = arith.addf %max3A_13, %get3A_4 : vector<2048x128xf32>
    %get3A_15 = arith.constant 0 : index
    %get3A_16 = arith.constant 0 : index
    %get3A_17 = vector.load %arg7[%get3A_15, %get3A_16] : memref<32x128xf32, #tpu.memory_space<vmem>>, vector<32x128xf32>
    %dot_general3A = arith.constant dense<0.000000e+00> : vector<2048x32xf32>
    %dot_general3A_18 = tpu.matmul %add3A_14, %get3A_17, %dot_general3A {dimension_numbers = #tpu.dot_dimension_numbers<[1], [1], [0], [0], [0, 0, 1, 0], [], []>, transpose_lhs_hint = false} : vector<2048x128xf32>, vector<32x128xf32>, vector<2048x32xf32> -> vector<2048x32xf32>
    %get3A_19 = arith.constant 0 : index
    %get3A_20 = vector.load %arg8[%get3A_19] : memref<32xf32, #tpu.memory_space<vmem>>, vector<32xf32>
    %broadcast_in_dim3A_21 = vector.shape_cast %get3A_20 : vector<32xf32> to vector<1x32xf32>
    %add3A_22 = vector.broadcast %broadcast_in_dim3A_21 : vector<1x32xf32> to vector<2048x32xf32>
    %add3A_23 = arith.addf %dot_general3A_18, %add3A_22 : vector<2048x32xf32>
    %max3A_24 = arith.constant 0.000000e+00 : f32
    %max3A_25 = vector.broadcast %max3A_24 : f32 to vector<2048x32xf32>
    %max3A_26 = arith.maximumf %add3A_23, %max3A_25 : vector<2048x32xf32>
    %get3A_27 = arith.constant 0 : index
    %get3A_28 = arith.constant 0 : index
    %get3A_29 = vector.load %arg9[%get3A_27, %get3A_28] : memref<32x32xf32, #tpu.memory_space<vmem>>, vector<32x32xf32>
    %dot_general3A_30 = arith.constant dense<0.000000e+00> : vector<2048x32xf32>
    %dot_general3A_31 = tpu.matmul %max3A_26, %get3A_29, %dot_general3A_30 {dimension_numbers = #tpu.dot_dimension_numbers<[1], [1], [0], [0], [0, 0, 1, 0], [], []>, transpose_lhs_hint = false} : vector<2048x32xf32>, vector<32x32xf32>, vector<2048x32xf32> -> vector<2048x32xf32>
    %get3A_32 = arith.constant 0 : index
    %get3A_33 = vector.load %arg10[%get3A_32] : memref<32xf32, #tpu.memory_space<vmem>>, vector<32xf32>
    %broadcast_in_dim3A_34 = vector.shape_cast %get3A_33 : vector<32xf32> to vector<1x32xf32>
    %add3A_35 = vector.broadcast %broadcast_in_dim3A_34 : vector<1x32xf32> to vector<2048x32xf32>
    %add3A_36 = arith.addf %dot_general3A_31, %add3A_35 : vector<2048x32xf32>
    %max3A_37 = arith.constant 0.000000e+00 : f32
    %max3A_38 = vector.broadcast %max3A_37 : f32 to vector<2048x32xf32>
    %max3A_39 = arith.maximumf %add3A_36, %max3A_38 : vector<2048x32xf32>
    %get3A_40 = arith.constant 0 : index
    %get3A_41 = arith.constant 0 : index
    %get3A_42 = vector.load %arg11[%get3A_40, %get3A_41] : memref<8x32xf32, #tpu.memory_space<vmem>>, vector<8x32xf32>
    %dot_general3A_43 = arith.constant dense<0.000000e+00> : vector<2048x8xf32>
    %dot_general3A_44 = tpu.matmul %max3A_39, %get3A_42, %dot_general3A_43 {dimension_numbers = #tpu.dot_dimension_numbers<[1], [1], [0], [0], [0, 0, 1, 0], [], []>, transpose_lhs_hint = false} : vector<2048x32xf32>, vector<8x32xf32>, vector<2048x8xf32> -> vector<2048x8xf32>
    %get3A_45 = arith.constant 0 : index
    %get3A_46 = vector.load %arg12[%get3A_45] : memref<1xf32, #tpu.memory_space<vmem>>, vector<1xf32>
    %get3A_47 = vector.extract %get3A_46[0] : f32 from vector<1xf32>
    %add3A_48 = vector.broadcast %get3A_47 : f32 to vector<2048x8xf32>
    %add3A_49 = arith.addf %dot_general3A_44, %add3A_48 : vector<2048x8xf32>
    %custom_jvp_call3A = arith.constant 0.000000e+00 : f32
    %max3A_50 = vector.broadcast %custom_jvp_call3A : f32 to vector<2048x8xf32>
    %max3A_51 = arith.maximumf %add3A_49, %max3A_50 : vector<2048x8xf32>
    %sub3A = vector.broadcast %custom_jvp_call3A : f32 to vector<2048x8xf32>
    %sub3A_52 = arith.subf %add3A_49, %sub3A : vector<2048x8xf32>
    %ne3A = arith.cmpf one, %sub3A_52, %sub3A_52 : vector<2048x8xf32>
    %add3A_53 = vector.broadcast %custom_jvp_call3A : f32 to vector<2048x8xf32>
    %add3A_54 = arith.addf %add3A_49, %add3A_53 : vector<2048x8xf32>
    %abs3A = math.absf %sub3A_52 : vector<2048x8xf32>
    %neg3A = arith.constant 0.000000e+00 : f32
    %neg3A_55 = vector.broadcast %neg3A : f32 to vector<2048x8xf32>
    %neg3A_56 = arith.subf %neg3A_55, %abs3A : vector<2048x8xf32>
    %exp3A = math.exp %neg3A_56 : vector<2048x8xf32>
    %log1p3A = math.log1p %exp3A : vector<2048x8xf32>
    %add3A_57 = arith.addf %max3A_51, %log1p3A : vector<2048x8xf32>
    %select_n3A = arith.select %ne3A, %add3A_54, %add3A_57 : vector<2048x8xi1>, vector<2048x8xf32>
    %add3A_58 = arith.constant 9.99999968E-21 : f32
    %add3A_59 = vector.broadcast %add3A_58 : f32 to vector<2048x8xf32>
    %add3A_60 = arith.addf %select_n3A, %add3A_59 : vector<2048x8xf32>
    %swap3A = arith.constant 0 : index
    %swap3A_61 = arith.constant 0 : index
    %swap3A_62 = vector.load %arg19[%swap3A, %swap3A_61] : memref<2048x8xf32, #tpu.memory_space<vmem>>, vector<2048x8xf32>
    tpu.vector_store %arg19[%swap3A, %swap3A_61], %add3A_60 {strides = array<i32>} : memref<2048x8xf32, #tpu.memory_space<vmem>>, vector<2048x8xf32>,
    %get3A_63 = arith.constant 0 : index
    %get3A_64 = arith.constant 0 : index
    %get3A_65 = vector.load %arg2[%get3A_63, %get3A_64] : memref<2048x128xf32, #tpu.memory_space<vmem>>, vector<2048x128xf32>
    %mul3A_66 = vector.broadcast %get3A_1 : vector<2048x1xf32> to vector<2048x128xf32>
    %mul3A_67 = arith.mulf %get3A_65, %mul3A_66 : vector<2048x128xf32>
    %get3A_68 = arith.constant 0 : index
    %get3A_69 = vector.load %arg6[%get3A_68] : memref<128xf32, #tpu.memory_space<vmem>>, vector<128xf32>
    %broadcast_in_dim3A_70 = vector.shape_cast %get3A_69 : vector<128xf32> to vector<1x128xf32>
    %add3A_71 = vector.broadcast %broadcast_in_dim3A_70 : vector<1x128xf32> to vector<2048x128xf32>
    %add3A_72 = arith.addf %mul3A_67, %add3A_71 : vector<2048x128xf32>
    %max3A_73 = arith.constant 0.000000e+00 : f32
    %max3A_74 = vector.broadcast %max3A_73 : f32 to vector<2048x128xf32>
    %max3A_75 = arith.maximumf %add3A_72, %max3A_74 : vector<2048x128xf32>
    %add3A_76 = arith.addf %max3A_75, %get3A_4 : vector<2048x128xf32>
    %iota3A = tpu.iota {dimensions = array<i32: 0>} : vector<2048x1xi32>
    %mul3A_77 = arith.constant 2048 : i32
    %mul3A_78 = arith.muli %arg0, %mul3A_77 : i32
    %add3A_79 = vector.broadcast %mul3A_78 : i32 to vector<2048x1xi32>
    %add3A_80 = arith.addi %iota3A, %add3A_79 : vector<2048x1xi32>
    %lt3A = arith.constant 10000 : i32
    %lt3A_81 = vector.broadcast %lt3A : i32 to vector<2048x1xi32>
    %lt3A_82 = arith.cmpi slt, %add3A_80, %lt3A_81 : vector<2048x1xi32>
    %jit3A = arith.constant 0.000000e+00 : f32
    %broadcast_in_dim3A_83 = vector.shape_cast %lt3A_82 : vector<2048x1xi1> to vector<2048x1xi1>
    %broadcast_in_dim3A_84 = vector.broadcast %broadcast_in_dim3A_83 : vector<2048x1xi1> to vector<2048x128xi1>
    %broadcast_in_dim3A_85 = vector.broadcast %jit3A : f32 to vector<2048x128xf32>
    %select_n3A_86 = arith.select %broadcast_in_dim3A_84, %add3A_76, %broadcast_in_dim3A_85 : vector<2048x128xi1>, vector<2048x128xf32>
    %reduce_sum3A = arith.constant dense<0.000000e+00> : vector<128xf32>
    %reduce_sum3A_87 = vector.multi_reduction <add>, %select_n3A_86, %reduce_sum3A [0] : vector<2048x128xf32> to vector<128xf32>
    %broadcast_in_dim3A_88 = vector.shape_cast %reduce_sum3A_87 : vector<128xf32> to vector<1x128xf32>
    %eq3A = arith.constant 0 : i32
    %eq3A_89 = arith.cmpi eq, %arg0, %eq3A : i32
    %convert_element_type3A = arith.extui %eq3A_89 : i1 to i32
    %cond3A = arith.constant 0 : i32
    %cond3A_90 = arith.cmpi ne, %convert_element_type3A, %cond3A : i32
    scf.if %cond3A_90 {
      %swap3A_100 = arith.constant 0 : index
      %swap3A_101 = arith.constant 0 : index
      %swap3A_102 = vector.load %arg21[%swap3A_100, %swap3A_101] : memref<1x128xf32, #tpu.memory_space<vmem>>, vector<1x128xf32>
      tpu.vector_store %arg21[%swap3A_100, %swap3A_101], %broadcast_in_dim3A_88 {strides = array<i32>} : memref<1x128xf32, #tpu.memory_space<vmem>>, vector<1x128xf32>,
    } else {
    }
    %gt3A = arith.constant 0 : i32
    %gt3A_91 = arith.cmpi sgt, %arg0, %gt3A : i32
    %convert_element_type3A_92 = arith.extui %gt3A_91 : i1 to i32
    %cond3A_93 = arith.constant 0 : i32
    %cond3A_94 = arith.cmpi ne, %convert_element_type3A_92, %cond3A_93 : i32
    scf.if %cond3A_94 {
      %get3A_100 = arith.constant 0 : index
      %get3A_101 = arith.constant 0 : index
      %get3A_102 = vector.load %arg21[%get3A_100, %get3A_101] : memref<1x128xf32, #tpu.memory_space<vmem>>, vector<1x128xf32>
      %add3A_103 = arith.addf %get3A_102, %broadcast_in_dim3A_88 : vector<1x128xf32>
      %swap3A_104 = arith.constant 0 : index
      %swap3A_105 = arith.constant 0 : index
      %swap3A_106 = vector.load %arg21[%swap3A_104, %swap3A_105] : memref<1x128xf32, #tpu.memory_space<vmem>>, vector<1x128xf32>
      tpu.vector_store %arg21[%swap3A_104, %swap3A_105], %add3A_103 {strides = array<i32>} : memref<1x128xf32, #tpu.memory_space<vmem>>, vector<1x128xf32>,
    } else {
    }
    %eq3A_95 = arith.constant 4 : i32
    %eq3A_96 = arith.cmpi eq, %arg0, %eq3A_95 : i32
    %convert_element_type3A_97 = arith.extui %eq3A_96 : i1 to i32
    %cond3A_98 = arith.constant 0 : i32
    %cond3A_99 = arith.cmpi ne, %convert_element_type3A_97, %cond3A_98 : i32
    scf.if %cond3A_99 {
      %get3A_100 = arith.constant 0 : index
      %get3A_101 = arith.constant 0 : index
      %get3A_102 = vector.load %arg21[%get3A_100, %get3A_101] : memref<1x128xf32, #tpu.memory_space<vmem>>, vector<1x128xf32>
      %get3A_103 = arith.constant 0 : index
      %get3A_104 = arith.constant 0 : index
      %get3A_105 = vector.load %arg13[%get3A_103, %get3A_104] : memref<32x128xf32, #tpu.memory_space<vmem>>, vector<32x128xf32>
      %dot_general3A_106 = arith.constant dense<0.000000e+00> : vector<1x32xf32>
      %dot_general3A_107 = tpu.matmul %get3A_102, %get3A_105, %dot_general3A_106 {dimension_numbers = #tpu.dot_dimension_numbers<[1], [1], [0], [0], [0, 0, 1, 0], [], []>, transpose_lhs_hint = false} : vector<1x128xf32>, vector<32x128xf32>, vector<1x32xf32> -> vector<1x32xf32>
      %get3A_108 = arith.constant 0 : index
      %get3A_109 = vector.load %arg14[%get3A_108] : memref<32xf32, #tpu.memory_space<vmem>>, vector<32xf32>
      %broadcast_in_dim3A_110 = vector.shape_cast %get3A_109 : vector<32xf32> to vector<1x32xf32>
      %add3A_111 = arith.addf %dot_general3A_107, %broadcast_in_dim3A_110 : vector<1x32xf32>
      %max3A_112 = arith.constant 0.000000e+00 : f32
      %max3A_113 = vector.broadcast %max3A_112 : f32 to vector<1x32xf32>
      %max3A_114 = arith.maximumf %add3A_111, %max3A_113 : vector<1x32xf32>
      %get3A_115 = arith.constant 0 : index
      %get3A_116 = arith.constant 0 : index
      %get3A_117 = vector.load %arg15[%get3A_115, %get3A_116] : memref<32x32xf32, #tpu.memory_space<vmem>>, vector<32x32xf32>
      %dot_general3A_118 = arith.constant dense<0.000000e+00> : vector<1x32xf32>
      %dot_general3A_119 = tpu.matmul %max3A_114, %get3A_117, %dot_general3A_118 {dimension_numbers = #tpu.dot_dimension_numbers<[1], [1], [0], [0], [0, 0, 1, 0], [], []>, transpose_lhs_hint = false} : vector<1x32xf32>, vector<32x32xf32>, vector<1x32xf32> -> vector<1x32xf32>
      %get3A_120 = arith.constant 0 : index
      %get3A_121 = vector.load %arg16[%get3A_120] : memref<32xf32, #tpu.memory_space<vmem>>, vector<32xf32>
      %broadcast_in_dim3A_122 = vector.shape_cast %get3A_121 : vector<32xf32> to vector<1x32xf32>
      %add3A_123 = arith.addf %dot_general3A_119, %broadcast_in_dim3A_122 : vector<1x32xf32>
      %max3A_124 = arith.constant 0.000000e+00 : f32
      %max3A_125 = vector.broadcast %max3A_124 : f32 to vector<1x32xf32>
      %max3A_126 = arith.maximumf %add3A_123, %max3A_125 : vector<1x32xf32>
      %get3A_127 = arith.constant 0 : index
      %get3A_128 = arith.constant 0 : index
      %get3A_129 = vector.load %arg17[%get3A_127, %get3A_128] : memref<8x32xf32, #tpu.memory_space<vmem>>, vector<8x32xf32>
      %dot_general3A_130 = arith.constant dense<0.000000e+00> : vector<1x8xf32>
      %dot_general3A_131 = tpu.matmul %max3A_126, %get3A_129, %dot_general3A_130 {dimension_numbers = #tpu.dot_dimension_numbers<[1], [1], [0], [0], [0, 0, 1, 0], [], []>, transpose_lhs_hint = false} : vector<1x32xf32>, vector<8x32xf32>, vector<1x8xf32> -> vector<1x8xf32>
      %get3A_132 = arith.constant 0 : index
      %get3A_133 = vector.load %arg18[%get3A_132] : memref<1xf32, #tpu.memory_space<vmem>>, vector<1xf32>
      %get3A_134 = vector.extract %get3A_133[0] : f32 from vector<1xf32>
      %add3A_135 = vector.broadcast %get3A_134 : f32 to vector<1x8xf32>
      %add3A_136 = arith.addf %dot_general3A_131, %add3A_135 : vector<1x8xf32>
      %broadcast_in_dim3A_137 = vector.shape_cast %add3A_136 : vector<1x8xf32> to vector<1x8xf32>
      %broadcast_in_dim3A_138 = vector.broadcast %broadcast_in_dim3A_137 : vector<1x8xf32> to vector<8x8xf32>
      %swap3A_139 = arith.constant 0 : index
      %swap3A_140 = arith.constant 0 : index
      %swap3A_141 = vector.load %arg20[%swap3A_139, %swap3A_140] : memref<8x8xf32, #tpu.memory_space<vmem>>, vector<8x8xf32>
      tpu.vector_store %arg20[%swap3A_139, %swap3A_140], %broadcast_in_dim3A_138 {strides = array<i32>} : memref<8x8xf32, #tpu.memory_space<vmem>>, vector<8x8xf32>,
    } else {
    }
    return
  }
  func.func @transform_0(%arg0: i32) -> (i32, i32) {
    %c0_i32 = arith.constant 0 : i32
    %c0_i32_0 = arith.constant 0 : i32
    return %arg0, %c0_i32 : i32, i32
  }
  func.func @transform_1(%arg0: i32) -> (i32, i32) {
    %c0_i32 = arith.constant 0 : i32
    %c0_i32_0 = arith.constant 0 : i32
    return %arg0, %c0_i32 : i32, i32
  }
  func.func @transform_2(%arg0: i32) -> (i32, i32) {
    %c0_i32 = arith.constant 0 : i32
    %c0_i32_0 = arith.constant 0 : i32
    return %arg0, %c0_i32 : i32, i32
  }
  func.func @transform_3(%arg0: i32) -> (i32, i32) {
    %c0_i32 = arith.constant 0 : i32
    %c0_i32_0 = arith.constant 0 : i32
    return %arg0, %c0_i32 : i32, i32
  }
  func.func @transform_4(%arg0: i32) -> i32 {
    %c0_i32 = arith.constant 0 : i32
    %c0_i32_0 = arith.constant 0 : i32
    return %c0_i32 : i32
  }
  func.func @transform_5(%arg0: i32) -> i32 {
    %c0_i32 = arith.constant 0 : i32
    %c0_i32_0 = arith.constant 0 : i32
    return %c0_i32 : i32
  }
  func.func @transform_6(%arg0: i32) -> (i32, i32) {
    %c0_i32 = arith.constant 0 : i32
    %c0_i32_0 = arith.constant 0 : i32
    %c0_i32_1 = arith.constant 0 : i32
    return %c0_i32, %c0_i32_0 : i32, i32
  }
  func.func @transform_7(%arg0: i32) -> i32 {
    %c0_i32 = arith.constant 0 : i32
    %c0_i32_0 = arith.constant 0 : i32
    return %c0_i32 : i32
  }
  func.func @transform_8(%arg0: i32) -> (i32, i32) {
    %c0_i32 = arith.constant 0 : i32
    %c0_i32_0 = arith.constant 0 : i32
    %c0_i32_1 = arith.constant 0 : i32
    return %c0_i32, %c0_i32_0 : i32, i32
  }
  func.func @transform_9(%arg0: i32) -> i32 {
    %c0_i32 = arith.constant 0 : i32
    %c0_i32_0 = arith.constant 0 : i32
    return %c0_i32 : i32
  }
  func.func @transform_10(%arg0: i32) -> (i32, i32) {
    %c0_i32 = arith.constant 0 : i32
    %c0_i32_0 = arith.constant 0 : i32
    %c0_i32_1 = arith.constant 0 : i32
    return %c0_i32, %c0_i32_0 : i32, i32
  }
  func.func @transform_11(%arg0: i32) -> i32 {
    %c0_i32 = arith.constant 0 : i32
    %c0_i32_0 = arith.constant 0 : i32
    return %c0_i32 : i32
  }
  func.func @transform_12(%arg0: i32) -> (i32, i32) {
    %c0_i32 = arith.constant 0 : i32
    %c0_i32_0 = arith.constant 0 : i32
    %c0_i32_1 = arith.constant 0 : i32
    return %c0_i32, %c0_i32_0 : i32, i32
  }
  func.func @transform_13(%arg0: i32) -> i32 {
    %c0_i32 = arith.constant 0 : i32
    %c0_i32_0 = arith.constant 0 : i32
    return %c0_i32 : i32
  }
  func.func @transform_14(%arg0: i32) -> (i32, i32) {
    %c0_i32 = arith.constant 0 : i32
    %c0_i32_0 = arith.constant 0 : i32
    %c0_i32_1 = arith.constant 0 : i32
    return %c0_i32, %c0_i32_0 : i32, i32
  }
  func.func @transform_15(%arg0: i32) -> i32 {
    %c0_i32 = arith.constant 0 : i32
    %c0_i32_0 = arith.constant 0 : i32
    return %c0_i32 : i32
  }
  func.func @transform_16(%arg0: i32) -> (i32, i32) {
    %c0_i32 = arith.constant 0 : i32
    %c0_i32_0 = arith.constant 0 : i32
    %c0_i32_1 = arith.constant 0 : i32
    return %c0_i32, %c0_i32_0 : i32, i32
  }
  func.func @transform_17(%arg0: i32) -> i32 {
    %c0_i32 = arith.constant 0 : i32
    %c0_i32_0 = arith.constant 0 : i32
    return %c0_i32 : i32
  }
  func.func @transform_18(%arg0: i32) -> (i32, i32) {
    %c0_i32 = arith.constant 0 : i32
    %c0_i32_0 = arith.constant 0 : i32
    return %arg0, %c0_i32 : i32, i32
  }
  func.func @transform_19(%arg0: i32) -> (i32, i32) {
    %c0_i32 = arith.constant 0 : i32
    %c0_i32_0 = arith.constant 0 : i32
    %c0_i32_1 = arith.constant 0 : i32
    return %c0_i32, %c0_i32_0 : i32, i32
  }
}

</mosaic_0001>

<sc_bundles>
// kernel: kernel.6.cloned.1.call-start
scs
__scs_entry_jumppad:
0x0: {  	(pc) =	sbr.rel $0x88, $3  }
0x1: {  	(tag) =	ssettag $0x0;
	lr =	simm.s32 $0x1  }
0x2: {  	[smem:$0x3F8F] =	sst lr;
	_ =	strace $0xD0000000  }
0x3: {  	_ = 	snop  }
0x4: {  	_ = 	snop  }
0x5: {  	_ = 	snop  }
0x6: {  	_ = 	snop  }
0x7: {  	_ = 	snop  }
__scs_overlays_trampoline_lowered:
0x8: {  	[smem:$0x3F9E] =	sst s0  }
0x9: {  	[smem:$0x3F9F] =	sst s1  }
0xa: {  	[smem:$0x3FA0] =	sst s2  }
0xb: {  	[smem:$0x3FA1] =	sst s3  }
0xc: {  	[smem:$0x3FA2] =	sst s4  }
0xd: {  	[smem:$0x3FA3] =	sst s5  }
0xe: {  	[smem:$0x3FA4] =	sst s6  }
0xf: {  	[smem:$0x3FA5] =	sst s7  }
0x10: {  	[smem:$0x3FA6] =	sst s8  }
0x11: {  	[smem:$0x3FA7] =	sst s9;
	s0 =	simm.s32 @!p0 $0x0  }
0x12: {  	s1 =	sld [smem:$0x3F8D];
	s0 =	simm.s32 @p0 $0x1  }
0x13: {  	[smem:$0x3FA8] =	sst s0;
	s0 =	simm.s32 @!p1 $0x0  }
0x14: {  	s2 =	sld [smem:$0x3F8C];
	s0 =	simm.s32 @p1 $0x1  }
0x15: {  	[smem:$0x3FA9] =	sst s0;
	s0 =	simm.s32 @!p2 $0x0  }
0x16: {  	s3 =	sld [smem:$0x3FDB];
	s0 =	simm.s32 @p2 $0x1  }
0x17: {  	s4 =	simm.s32 $0x1BF5;
	[smem:$0x3FAB] =	sst s0  }
0x18: {  	s0 =	sld [smem:$0x3F8E];
	_ =	swait.ge [sflag:s4], $0x0  }
0x19: {  	s7 =	sld [smem:$0x3F8F]  }
0x1a: {  	s8 =	sadd.s32 $0xFFFFE003, lr  }
0x1b: {  	s9 =	sadd.s32 $0xFFFFFEF7, lr;
	s5 =	simm.s32 $0xFFFFFFFF;
	p2 =	slt.u32 s8, $0xFFFFF086  }
0x1c: {  	p1 =	slt.u32 s9, $0xF7A;
	s5 =	simm.s32 @!p2 $0x0  }
0x1d: {  	s5 =	simm.s32 @p1 $0x1;
	p0 =	seq.s32 s7, s2  }
0x1e: {  	s7 =	smul.u32 @!p0 $0xF7A, s2;
	p2 =	seq.s32 @!p0 s5, $0x0  }
0x1f: {  	s9 =	smul.u32 $0xF7A, s1;
	s8 =	simm.s32 @!p0 $0x1BF5;
	p2 =	por !p2, p0  }
0x20: {  	[sflag:s8] =	ssyncset.s32 @!p0 $0xFFFFF086;
	s6 =	sadd.s32 @!p0 s3, s7;
	s7 =	simm.s32 @!p0 $0x108  }
0x21: {  	s3 =	sadd.s32 s3, s9;
	s6 =	sadd.s32 @!p0 $0x88, s6;
	s7 =	simm.s32 @p2 $0x1082  }
0x22: {  	[simem:s7], [sflag:s8] =	dma.local @!p0 [hbm:s6], $0xF7A  }
0x23: {  	s9 =	sor.u32 $0xD0000000, s2;
	s6 =	simm.s32 $0x108;
	_ =	swait.ge @!p0 [sflag:s8], $0x0  }
0x24: {  	s3 =	sadd.s32 $0x88, s3;
	s6 =	simm.s32 @!p1 $0x1082;
	[sflag:s4] =	ssyncset.s32 $0xFFFFF086  }
0x25: {  	[simem:s6], [sflag:s4] =	dma.local [hbm:s3], $0xF7A  }
0x26: {  	[smem:$0x3F8F] =	sst s1;
	(tag) =	ssettag s2;
	_ =	strace s9  }
0x27: {  	s1 =	sld [smem:$0x3F9F]  }
0x28: {  	s2 =	sld [smem:$0x3FA0]  }
0x29: {  	s4 =	sld [smem:$0x3FA2]  }
0x2a: {  	p0 =	seq.s32 s5, $0x0;
	s5 =	sld [smem:$0x3FA3]  }
0x2b: {  	s6 =	sld [smem:$0x3FA4]  }
0x2c: {  	s7 =	sld [smem:$0x3FA5]  }
0x2d: {  	s3 =	simm.s32 $0x108;
	s8 =	sld [smem:$0x3FA6]  }
0x2e: {  	s3 =	simm.s32 @!p0 $0x1082;
	s9 =	sld [smem:$0x3FA7]  }
0x2f: {  	lr =	sadd.s32 s0, s3;
	s0 =	sld [smem:$0x3F9E]  }
0x30: {  	s3 =	sld [smem:$0x3FA1]  }
0x31: {  	[smem:$0x3FAA] =	sst s10  }
0x32: {  	s10 =	sld [smem:$0x3FA8];
	_ =	sdelay $0x3  }
0x33: {  	p0 =	seq.s32 s10, $0x1;
	s10 =	sld [smem:$0x3FAA];
	_ =	sdelay $0x3  }
0x34: {  	[smem:$0x3FAA] =	sst s10  }
0x35: {  	s10 =	sld [smem:$0x3FA9];
	_ =	sdelay $0x3  }
0x36: {  	p1 =	seq.s32 s10, $0x1;
	s10 =	sld [smem:$0x3FAA];
	_ =	sdelay $0x3  }
0x37: {  	[smem:$0x3FAA] =	sst s10  }
0x38: {  	s10 =	sld [smem:$0x3FAB]  }
0x39: {  	_ = 	snop;
	(pc) =	sbr.ind lr, $3  }
0x3a: {  	_ = 	snop  }
0x3b: {  	_ = 	snop  }
0x3c: {  	p2 =	seq.s32 s10, $0x1;
	s10 =	sld [smem:$0x3FAA]  }
0x3d: {  	_ =	shalt  }
0x3e: {  	_ =	shalt  }
0x3f: {  	_ =	shalt  }
0x40: {  	_ =	shalt  }
0x41: {  	_ =	shalt  }
0x42: {  	_ =	shalt  }
0x43: {  	_ =	shalt  }
0x44: {  	_ =	shalt  }
0x45: {  	_ =	shalt  }
0x46: {  	_ =	shalt  }
0x47: {  	_ =	shalt  }
0x48: {  	_ =	shalt  }
0x49: {  	_ =	shalt  }
0x4a: {  	_ =	shalt  }
0x4b: {  	_ =	shalt  }
0x4c: {  	_ =	shalt  }
0x4d: {  	_ =	shalt  }
0x4e: {  	_ =	shalt  }
0x4f: {  	_ =	shalt  }
0x50: {  	_ =	shalt  }
0x51: {  	_ =	shalt  }
0x52: {  	_ =	shalt  }
0x53: {  	_ =	shalt  }
0x54: {  	_ =	shalt  }
0x55: {  	_ =	shalt  }
0x56: {  	_ =	shalt  }
0x57: {  	_ =	shalt  }
0x58: {  	_ =	shalt  }
0x59: {  	_ =	shalt  }
0x5a: {  	_ =	shalt  }
0x5b: {  	_ =	shalt  }
0x5c: {  	_ =	shalt  }
0x5d: {  	_ =	shalt  }
0x5e: {  	_ =	shalt  }
0x5f: {  	_ =	shalt  }
0x60: {  	_ =	shalt  }
0x61: {  	_ =	shalt  }
0x62: {  	_ =	shalt  }
0x63: {  	_ =	shalt  }
0x64: {  	_ =	shalt  }
0x65: {  	_ =	shalt  }
0x66: {  	_ =	shalt  }
0x67: {  	_ =	shalt  }
0x68: {  	_ =	shalt  }
0x69: {  	_ =	shalt  }
0x6a: {  	_ =	shalt  }
0x6b: {  	_ =	shalt  }
0x6c: {  	_ =	shalt  }
0x6d: {  	_ =	shalt  }
0x6e: {  	_ =	shalt  }
0x6f: {  	_ =	shalt  }
0x70: {  	_ =	shalt  }
0x71: {  	_ =	shalt  }
0x72: {  	_ =	shalt  }
0x73: {  	_ =	shalt  }
0x74: {  	_ =	shalt  }
0x75: {  	_ =	shalt  }
0x76: {  	_ =	shalt  }
0x77: {  	_ =	shalt  }
0x78: {  	_ =	shalt  }
0x79: {  	_ =	shalt  }
0x7a: {  	_ =	shalt  }
0x7b: {  	_ =	shalt  }
0x7c: {  	_ =	shalt  }
0x7d: {  	_ =	shalt  }
0x7e: {  	_ =	shalt  }
0x7f: {  	_ =	shalt  }
0x80: {  	_ =	shalt  }
0x81: {  	_ =	shalt  }
0x82: {  	_ =	shalt  }
0x83: {  	_ =	shalt  }
0x84: {  	_ =	shalt  }
0x85: {  	_ =	shalt  }
0x86: {  	_ =	shalt  }
0x87: {  	_ =	shalt  }
.Lfunc_end0:
.L_simem_size_0:
called_computation_lowered:
.L_overlay_start_0:
0x88: {  	s2 =	sld [smem:$0x3FD9]  }
0x89: {  	s3 =	sld [smem:$0x3FFE];
	_ =	sdelay $0x1  }
0x8a: {  	s1 =	srdreg.scid  }
0x8b: {  	s0 =	sand.u32 $0x1, s1  }
0x8c: {  	s16 =	sshll.u32 s0, $0xA;
	s2 =	sadd.s32 s3, s2  }
0x8d: {  	s2 =	sadd.s32 s2, s16  }
0x8e: {  	[smem:$0x3FB6] =	sst s2  }
0x8f: {  	_ = 	snop  }
0x90: {  	(tm) =	ssettm $0x1  }
0x91: {  	s17 =	sld [smem:$0x3FFB];
	_ =	sdelay $0x3  }
0x92: {  	_ =	strace s17  }
0x93: {  	s2 =	sld [smem:$0x3FFC];
	_ =	sdelay $0x3  }
0x94: {  	_ =	strace s2  }
0x95: {  	s2 =	sld [smem:$0x3FFD];
	_ =	sdelay $0x3  }
0x96: {  	_ =	strace s2  }
0x97: {  	_ =	strace $0x8FFFFFFF  }
0x98: {  	s18 =	sld [smem:$0x3FDB];
	_ =	sdelay $0x1  }
0x99: {  	s19 =	simm.s32 $_scs_section_size  }
0x9a: {  	s4 =	simm.s32 $_size__tile_overlayer_lowered;
	s5 =	simm.s32 $_tile_overlayer_lowered  }
0x9b: {  	s22 =	simm.s32 $0x1BFF;
	s21 =	sshll.u32 s5, $0x1;
	s2 =	sadd.s32 s19, s18  }
0x9c: {  	s6 =	simm.s32 $0x0;
	s20 =	sshll.u32 s4, $0x1;
	s4 =	sadd.s32 s21, s2  }
0x9d: {  	[timem:s6], [sflag:s22] =	dma.local [hbm:s4], s20  }
0x9e: {  	_ =	swait.ge [sflag:s22], s20  }
0x9f: {  	s3 =	ssub.s32 $0x0, s20;
	[sflag:s22] =	ssyncset.done $0x0  }
0xa0: {  	[sflag:s22] =	ssyncadd.s32 s3;
	_ =	sdelay $0x1  }
0xa1: {  	s23 =	simm.s32 $0x1B8B  }
0xa2: {  	_ =	swait.ge [sflag:s23], $0x1  }
0xa3: {  	[sflag:s23] =	ssyncset.done $0x0  }
0xa4: {  	s25 =	simm.s32 $0x1B8E;
	s24 =	sld [smem:$0x3FFE];
	[sflag:s23] =	ssyncadd.s32 $0xFFFFFFFF  }
0xa5: {  	s26 =	simm.s32 $execute0_lowered;
	[smem:$0x3FD2] =	sst s25  }
0xa6: {  	s4 =	sshll.u32 s26, $0x1;
	_ =	strace $0x80000046;
	[dreg:$0x1] =	wrdreg $0xFFFFFFFF  }
0xa7: {  	s28 =	simm.s32 $_size_execute0_lowered;
	s2 =	sadd.s32 s2, s4;
	[dreg:$0x0] =	wrdreg $0x0  }
0xa8: {  	s4 =	sshll.u32 s28, $0x1;
	[dreg:$0x2] =	wrdreg s2  }
0xa9: {  	[dreg:$0x3] =	wrdreg s4  }
0xaa: {  	[dreg:$0x4] =	wrdreg $0xC0  }
0xab: {  	_ =	task [dreg:s6], $0x5FFFF  }
0xac: {  	[dreg:$0x1] =	wrdreg $0xFFFFFFFF  }
0xad: {  	[dreg:$0x0] =	wrdreg $0x60  }
0xae: {  	[dreg:$0x2] =	wrdreg s24  }
0xaf: {  	[dreg:$0x3] =	wrdreg $0x43000  }
0xb0: {  	[dreg:$0x4] =	wrdreg $0x9  }
0xb1: {  	_ =	task.clear_ibuf [dreg:s6], $0x5FFFF;
	_ =	strace $0x90000046  }
0xb2: {  	s29 =	simm.s32 $0x9;
	_ =	strace $0x80000048  }
0xb3: {  	_ =	swait.ge [sflag:s29], $0x1  }
0xb4: {  	[sflag:s29] =	ssyncadd.s32 $0xFFFFFFFF  }
0xb5: {  	_ =	strace $0x90000048  }
0xb6: {  	_ =	sfence  }
0xb7: {  	s30 =	sld [smem:$0x0];
	_ =	sdelay $0x2  }
0xb8: {  	s31 =	sshll.u32 s1, $0xD;
	s1 =	sshrl.u32 s1, $0x2  }
0xb9: {  	s3 =	sand.u32 $0x4000, s31;
	s1 =	sadd.s32 s1, s30  }
0xba: {  	s0 =	sor.u32 s3, s0;
	s1 =	sshll.u32 s1, $0x11  }
0xbb: {  	s0 =	sor.u32 s1, s0  }
0xbc: {  	s0 =	sadd.s32 $0x8F2B, s0  }
0xbd: {  	[sflag:s0] =	ssyncadd.remote.s32 $0x1  }
0xbe: {  	_ =	sfence.sel $0xFFFF  }
0xbf: {  	[dreg:$0x0] =	wrdreg $0xFFFFFFFF;
	(pc) =	sbr.abs _section_cstart, $3  }
0xc0: {  	[dreg:$0x1] =	wrdreg $0xFFFFFFFF  }
0xc1: {  	_ =	task.clear_ibuf [dreg:s6], $0x2FFFF;
	_ =	strace $0x9FFFFFFF  }
0xc2: {  	(tm) =	ssettm $0x7FFFFFFF  }
0xc3: {  	_ =	shalt  }
tec
execute0_lowered:
.L_overlay_start_1:
0x0: {  	(tag) =	ssettag $0x1  }
0x1: {  	s4 =	rddreg [dreg:$0x0]  }
0x2: {  	s2 =	rddreg [dreg:$0x1]  }
0x3: {  	s0 =	rddreg [dreg:$0x2]  }
0x4: {  	s1 =	stileid.u32;
	s5 =	srdreg.scid;
	s3 =	simm.s32 $0x0  }
0x5: {  	s11 =	simm.s32 $0x4000;
	s14 =	simm.s32 $0x0;
	s5 =	sand.u32 $0x1, s5  }
0x6: {  	s6 =	smul.u32 $0x280, s1;
	[smem:$0x7FF] =	sst s3;
	s8 =	sshll.u32 s1, $0xB  }
0x7: {  	s12 =	sshll.u32 s1, $0x6;
	s7 =	smul.u32 $0x2800, s5;
	_ =	strace $0x80000047  }
0x8: {  	s8 =	sadd.s32 s8, s4;
	s9 =	ssub.s32 $0x2, s5;
	s5 =	sshll.u32 s5, $0xF  }
0x9: {  	s12 =	sor.u32 $0x1C01, s12;
	s10 =	sshrl.u32 s9, $0x1;
	s7 =	sadd.s32 s6, s7  }
0xa: {  	s5 =	sadd.s32 s5, s8;
	s8 =	simm.s32 $0x4080;
	s7 =	sshrl.u32 s7, $0x3  }
0xb: {  	s9 =	ssub.s32 s9, s10;
	s5 =	sadd.s32 $0x3800, s5;
	s7 =	sadd.s32 s7, s4  }
0xc: {  	s10 =	simm.s32 $0x50;
	s4 =	sadd.s32 s6, s2;
	s6 =	sadd.s32 $0x13800, s7  }
0xd: {  	v0 =	vimm.f32 $1.000000000e+00;
	v1 =	vimm.f32 $0.0e+00;
	s7 =	smax.u32 s9, $0x1;
	s9 =	simm.s32 $0x1;
	s13 =	sshrl.u32 s4, $0x3  }
.LBB2_1:
0xe: {  	[tilespmem:$0x4000] =	vst v0  }
0xf: {  	[tilespmem:$0x4010] =	vst v0  }
0x10: {  	[tilespmem:$0x4020] =	vst v0  }
0x11: {  	[tilespmem:$0x4030] =	vst v0  }
0x12: {  	[tilespmem:$0x4040] =	vst v0  }
0x13: {  	[tilespmem:$0x4080] =	vst v1  }
0x14: {  	[tilespmem:$0x4090] =	vst v1  }
0x15: {  	[tilespmem:$0x40A0] =	vst v1  }
0x16: {  	[tilespmem:$0x40B0] =	vst v1  }
0x17: {  	[tilespmem:$0x40C0] =	vst v1  }
0x18: {  	[tilespmem:$0x40D0] =	vst v1  }
0x19: {  	[tilespmem:$0x40E0] =	vst v1  }
0x1a: {  	[tilespmem:$0x40F0] =	vst v1  }
0x1b: {  	[tilespmem:$0x4100] =	vst v1  }
0x1c: {  	[tilespmem:$0x4110] =	vst v1  }
0x1d: {  	[tilespmem:$0x4120] =	vst v1  }
0x1e: {  	[tilespmem:$0x4130] =	vst v1  }
0x1f: {  	[tilespmem:$0x4140] =	vst v1  }
0x20: {  	[tilespmem:$0x4150] =	vst v1  }
0x21: {  	[tilespmem:$0x4160] =	vst v1  }
0x22: {  	[tilespmem:$0x4170] =	vst v1  }
0x23: {  	[tilespmem:$0x4180] =	vst v1  }
0x24: {  	[tilespmem:$0x4190] =	vst v1  }
0x25: {  	[tilespmem:$0x41A0] =	vst v1  }
0x26: {  	[tilespmem:$0x41B0] =	vst v1  }
0x27: {  	[tilespmem:$0x41C0] =	vst v1  }
0x28: {  	[tilespmem:$0x41D0] =	vst v1  }
0x29: {  	[tilespmem:$0x41E0] =	vst v1  }
0x2a: {  	[tilespmem:$0x41F0] =	vst v1  }
0x2b: {  	[tilespmem:$0x4200] =	vst v1  }
0x2c: {  	[tilespmem:$0x4210] =	vst v1  }
0x2d: {  	[tilespmem:$0x4220] =	vst v1  }
0x2e: {  	[tilespmem:$0x4230] =	vst v1  }
0x2f: {  	[tilespmem:$0x4240] =	vst v1  }
0x30: {  	[tilespmem:$0x4250] =	vst v1  }
0x31: {  	[tilespmem:$0x4260] =	vst v1  }
0x32: {  	[tilespmem:$0x4270] =	vst v1  }
0x33: {  	[tilespmem:$0x4280] =	vst v1  }
0x34: {  	[tilespmem:$0x4290] =	vst v1  }
0x35: {  	[tilespmem:$0x42A0] =	vst v1  }
0x36: {  	[tilespmem:$0x42B0] =	vst v1  }
0x37: {  	[tilespmem:$0x42C0] =	vst v1  }
0x38: {  	[tilespmem:$0x42D0] =	vst v1  }
0x39: {  	[tilespmem:$0x42E0] =	vst v1  }
0x3a: {  	[tilespmem:$0x42F0] =	vst v1  }
0x3b: {  	[spmem:s4] =	stream.linear.scatter [tilespmem:s8], [sflag:$0x1], $0x280, $0x38;
	[tilespmem:$0x4580] =	vst v63  }
0x3c: {  	_ =	swait.ge [sflag:s9], $0x280  }
0x3d: {  	[sflag:s9] =	ssyncset.done $0x0  }
0x3e: {  	[sflag:s9] =	ssyncadd.s32 $0xFFFFFD80  }
0x3f: {  	[bflag:$0x0] =	sbarrier.arrive $0xFFFF  }
0x40: {  	[tilespmem:s3], [sflag:$0x1] =	stream.linear.gather [hbm4b:s5+s3], $0x3E80, $0x38;
	[tilespmem:$0x4580] =	vst v63  }
0x41: {  	_ =	swait.ge [sflag:s9], $0x3E80  }
0x42: {  	[sflag:s9] =	ssyncset.done $0x0  }
0x43: {  	s15 =	simm.s32 $0x0;
	[sflag:s9] =	ssyncadd.s32 $0xFFFFC180  }
0x44: {  	[spmem:s2] =	stream.indirect.scatter.add.f32 [tilespmem:s11], [sflag:$0x1], $0x1, s15, s10, $0xb8;
	[tilespmem:$0x4580] =	vst v63  }
0x45: {  	_ =	swait.ge [sflag:s9], $0x50  }
0x46: {  	s15 =	simm.s32 $0x200;
	[sflag:s9] =	ssyncset.done $0x0  }
.LBB2_2:
0x47: {  	s16 =	sshra.s32 s15, $0x2;
	[sflag:s9] =	ssyncadd.s32 $0xFFFFFFB0;
	p0 =	sne.s32 s15, $0xF800  }
0x48: {  	[spmem:s2] =	stream.indirect.scatter.add.f32 [tilespmem:s11], [sflag:$0x1], $0x1, s16, s10, $0xb8;
	[tilespmem:$0x4580] =	vst v63  }
.Ltmp0:
0x49: {  	_ = 	snop;
	(pc) =	sbr.rel @p0 .LBB2_2-.Ltmp0, $4  }
0x4a: {  	_ = 	snop  }
0x4b: {  	s15 =	sadd.s32 $0x200, s15  }
0x4c: {  	_ =	swait.ge [sflag:s9], $0x50  }
0x4d: {  	[sflag:s9] =	ssyncset.done $0x0  }
0x4e: {  	s14 =	sadd.s32 $0x1, s14  }
0x4f: {  	[sflag:s9] =	ssyncadd.s32 $0xFFFFFFB0;
	p0 =	sne.s32 s14, s7  }
.Ltmp1:
0x50: {  	[bflag:$0x0] =	sbarrier.arrive $0xFFFF;
	(pc) =	sbr.rel @p0 .LBB2_1-.Ltmp1, $4  }
0x51: {  	[hbm:s6], [sflag:s12] =	dma.local [spmem:s13], $0x50  }
0x52: {  	_ =	swait.ge [sflag:s9], $0x50  }
0x53: {  	[sflag:s9] =	ssyncset.done $0x0  }
0x54: {  	[sflag:s9] =	ssyncadd.s32 $0xFFFFFFB0  }
0x55: {  	_ =	sfence.sel $0x180000  }
0x56: {  	[bflag:$0x0] =	sbarrier.arrive $0xFFFF  }
0x57: {  	p0 =	sne.s32 s1, $0x0;
	_ =	strace $0x90000047  }
0x58: {  	s0 =	sadd.s32 @!p0 $0x100000, s0;
	[bflag:$0x2] =	sbarrier.arrive $0xFFFF  }
0x59: {  	[sflag:s0] =	ssyncadd.tile.s32 @!p0 $0x1;
	_ =	shalt  }
.Lfunc_end2:
_tile_overlayer_lowered:
.L_overlay_start_2:
0x5a: {  	(tag) =	ssettag $0x2  }
0x5b: {  	s0 =	rddreg [dreg:$0x0];
	s2 =	stileid.u32  }
0x5c: {  	s1 =	rddreg [dreg:$0x1];
	p0 =	sne.s32 s2, $0x0  }
0x5d: {  	s3 =	rddreg [dreg:$0x2];
	[bflag:$0x3] =	sbarrier.arrive $0xFFFF;
	s2 =	simm.s32 @!p0 $0x1C01  }
0x5e: {  	[timem:s3], [sflag:s2] =	dma.local @!p0 [hbm:s0], s1  }
0x5f: {  	s0 =	simm.s32 @!p0 $0x1  }
0x60: {  	_ =	swait.ge @!p0 [sflag:s0], s1  }
0x61: {  	s1 =	ssub.s32 @!p0 $0x0, s1;
	[sflag:s0] =	ssyncset.done @!p0 $0x0  }
0x62: {  	[sflag:s0] =	ssyncadd.s32 @!p0 s1  }
0x63: {  	[bflag:$0x3] =	sbarrier.arrive $0xFFFF  }
0x64: {  	_ =	shalt  }

// kernel: kernel.9.cloned.1.call-start
scs
__scs_entry_jumppad:
0x0: {  	(pc) =	sbr.rel $0x88, $3  }
0x1: {  	(tag) =	ssettag $0x0;
	lr =	simm.s32 $0x1  }
0x2: {  	[smem:$0x3F8F] =	sst lr;
	_ =	strace $0xD0000000  }
0x3: {  	_ = 	snop  }
0x4: {  	_ = 	snop  }
0x5: {  	_ = 	snop  }
0x6: {  	_ = 	snop  }
0x7: {  	_ = 	snop  }
__scs_overlays_trampoline_lowered:
0x8: {  	[smem:$0x3F9E] =	sst s0  }
0x9: {  	[smem:$0x3F9F] =	sst s1  }
0xa: {  	[smem:$0x3FA0] =	sst s2  }
0xb: {  	[smem:$0x3FA1] =	sst s3  }
0xc: {  	[smem:$0x3FA2] =	sst s4  }
0xd: {  	[smem:$0x3FA3] =	sst s5  }
0xe: {  	[smem:$0x3FA4] =	sst s6  }
0xf: {  	[smem:$0x3FA5] =	sst s7  }
0x10: {  	[smem:$0x3FA6] =	sst s8  }
0x11: {  	[smem:$0x3FA7] =	sst s9;
	s0 =	simm.s32 @!p0 $0x0  }
0x12: {  	s1 =	sld [smem:$0x3F8D];
	s0 =	simm.s32 @p0 $0x1  }
0x13: {  	[smem:$0x3FA8] =	sst s0;
	s0 =	simm.s32 @!p1 $0x0  }
0x14: {  	s2 =	sld [smem:$0x3F8C];
	s0 =	simm.s32 @p1 $0x1  }
0x15: {  	[smem:$0x3FA9] =	sst s0;
	s0 =	simm.s32 @!p2 $0x0  }
0x16: {  	s3 =	sld [smem:$0x3FDB];
	s0 =	simm.s32 @p2 $0x1  }
0x17: {  	s4 =	simm.s32 $0x1BF5;
	[smem:$0x3FAB] =	sst s0  }
0x18: {  	s0 =	sld [smem:$0x3F8E];
	_ =	swait.ge [sflag:s4], $0x0  }
0x19: {  	s7 =	sld [smem:$0x3F8F]  }
0x1a: {  	s8 =	sadd.s32 $0xFFFFE003, lr  }
0x1b: {  	s9 =	sadd.s32 $0xFFFFFEF7, lr;
	s5 =	simm.s32 $0xFFFFFFFF;
	p2 =	slt.u32 s8, $0xFFFFF086  }
0x1c: {  	p1 =	slt.u32 s9, $0xF7A;
	s5 =	simm.s32 @!p2 $0x0  }
0x1d: {  	s5 =	simm.s32 @p1 $0x1;
	p0 =	seq.s32 s7, s2  }
0x1e: {  	s7 =	smul.u32 @!p0 $0xF7A, s2;
	p2 =	seq.s32 @!p0 s5, $0x0  }
0x1f: {  	s9 =	smul.u32 $0xF7A, s1;
	s8 =	simm.s32 @!p0 $0x1BF5;
	p2 =	por !p2, p0  }
0x20: {  	[sflag:s8] =	ssyncset.s32 @!p0 $0xFFFFF086;
	s6 =	sadd.s32 @!p0 s3, s7;
	s7 =	simm.s32 @!p0 $0x108  }
0x21: {  	s3 =	sadd.s32 s3, s9;
	s6 =	sadd.s32 @!p0 $0x88, s6;
	s7 =	simm.s32 @p2 $0x1082  }
0x22: {  	[simem:s7], [sflag:s8] =	dma.local @!p0 [hbm:s6], $0xF7A  }
0x23: {  	s9 =	sor.u32 $0xD0000000, s2;
	s6 =	simm.s32 $0x108;
	_ =	swait.ge @!p0 [sflag:s8], $0x0  }
0x24: {  	s3 =	sadd.s32 $0x88, s3;
	s6 =	simm.s32 @!p1 $0x1082;
	[sflag:s4] =	ssyncset.s32 $0xFFFFF086  }
0x25: {  	[simem:s6], [sflag:s4] =	dma.local [hbm:s3], $0xF7A  }
0x26: {  	[smem:$0x3F8F] =	sst s1;
	(tag) =	ssettag s2;
	_ =	strace s9  }
0x27: {  	s1 =	sld [smem:$0x3F9F]  }
0x28: {  	s2 =	sld [smem:$0x3FA0]  }
0x29: {  	s4 =	sld [smem:$0x3FA2]  }
0x2a: {  	p0 =	seq.s32 s5, $0x0;
	s5 =	sld [smem:$0x3FA3]  }
0x2b: {  	s6 =	sld [smem:$0x3FA4]  }
0x2c: {  	s7 =	sld [smem:$0x3FA5]  }
0x2d: {  	s3 =	simm.s32 $0x108;
	s8 =	sld [smem:$0x3FA6]  }
0x2e: {  	s3 =	simm.s32 @!p0 $0x1082;
	s9 =	sld [smem:$0x3FA7]  }
0x2f: {  	lr =	sadd.s32 s0, s3;
	s0 =	sld [smem:$0x3F9E]  }
0x30: {  	s3 =	sld [smem:$0x3FA1]  }
0x31: {  	[smem:$0x3FAA] =	sst s10  }
0x32: {  	s10 =	sld [smem:$0x3FA8];
	_ =	sdelay $0x3  }
0x33: {  	p0 =	seq.s32 s10, $0x1;
	s10 =	sld [smem:$0x3FAA];
	_ =	sdelay $0x3  }
0x34: {  	[smem:$0x3FAA] =	sst s10  }
0x35: {  	s10 =	sld [smem:$0x3FA9];
	_ =	sdelay $0x3  }
0x36: {  	p1 =	seq.s32 s10, $0x1;
	s10 =	sld [smem:$0x3FAA];
	_ =	sdelay $0x3  }
0x37: {  	[smem:$0x3FAA] =	sst s10  }
0x38: {  	s10 =	sld [smem:$0x3FAB]  }
0x39: {  	_ = 	snop;
	(pc) =	sbr.ind lr, $3  }
0x3a: {  	_ = 	snop  }
0x3b: {  	_ = 	snop  }
0x3c: {  	p2 =	seq.s32 s10, $0x1;
	s10 =	sld [smem:$0x3FAA]  }
0x3d: {  	_ =	shalt  }
0x3e: {  	_ =	shalt  }
0x3f: {  	_ =	shalt  }
0x40: {  	_ =	shalt  }
0x41: {  	_ =	shalt  }
0x42: {  	_ =	shalt  }
0x43: {  	_ =	shalt  }
0x44: {  	_ =	shalt  }
0x45: {  	_ =	shalt  }
0x46: {  	_ =	shalt  }
0x47: {  	_ =	shalt  }
0x48: {  	_ =	shalt  }
0x49: {  	_ =	shalt  }
0x4a: {  	_ =	shalt  }
0x4b: {  	_ =	shalt  }
0x4c: {  	_ =	shalt  }
0x4d: {  	_ =	shalt  }
0x4e: {  	_ =	shalt  }
0x4f: {  	_ =	shalt  }
0x50: {  	_ =	shalt  }
0x51: {  	_ =	shalt  }
0x52: {  	_ =	shalt  }
0x53: {  	_ =	shalt  }
0x54: {  	_ =	shalt  }
0x55: {  	_ =	shalt  }
0x56: {  	_ =	shalt  }
0x57: {  	_ =	shalt  }
0x58: {  	_ =	shalt  }
0x59: {  	_ =	shalt  }
0x5a: {  	_ =	shalt  }
0x5b: {  	_ =	shalt  }
0x5c: {  	_ =	shalt  }
0x5d: {  	_ =	shalt  }
0x5e: {  	_ =	shalt  }
0x5f: {  	_ =	shalt  }
0x60: {  	_ =	shalt  }
0x61: {  	_ =	shalt  }
0x62: {  	_ =	shalt  }
0x63: {  	_ =	shalt  }
0x64: {  	_ =	shalt  }
0x65: {  	_ =	shalt  }
0x66: {  	_ =	shalt  }
0x67: {  	_ =	shalt  }
0x68: {  	_ =	shalt  }
0x69: {  	_ =	shalt  }
0x6a: {  	_ =	shalt  }
0x6b: {  	_ =	shalt  }
0x6c: {  	_ =	shalt  }
0x6d: {  	_ =	shalt  }
0x6e: {  	_ =	shalt  }
0x6f: {  	_ =	shalt  }
0x70: {  	_ =	shalt  }
0x71: {  	_ =	shalt  }
0x72: {  	_ =	shalt  }
0x73: {  	_ =	shalt  }
0x74: {  	_ =	shalt  }
0x75: {  	_ =	shalt  }
0x76: {  	_ =	shalt  }
0x77: {  	_ =	shalt  }
0x78: {  	_ =	shalt  }
0x79: {  	_ =	shalt  }
0x7a: {  	_ =	shalt  }
0x7b: {  	_ =	shalt  }
0x7c: {  	_ =	shalt  }
0x7d: {  	_ =	shalt  }
0x7e: {  	_ =	shalt  }
0x7f: {  	_ =	shalt  }
0x80: {  	_ =	shalt  }
0x81: {  	_ =	shalt  }
0x82: {  	_ =	shalt  }
0x83: {  	_ =	shalt  }
0x84: {  	_ =	shalt  }
0x85: {  	_ =	shalt  }
0x86: {  	_ =	shalt  }
0x87: {  	_ =	shalt  }
.Lfunc_end0:
.L_simem_size_0:
called_computation.1_lowered:
.L_overlay_start_0:
0x88: {  	s2 =	sld [smem:$0x3FD9]  }
0x89: {  	s3 =	sld [smem:$0x3FFE];
	_ =	sdelay $0x1  }
0x8a: {  	s1 =	srdreg.scid  }
0x8b: {  	s0 =	sand.u32 $0x1, s1  }
0x8c: {  	s16 =	sshll.u32 s0, $0xA;
	s2 =	sadd.s32 s3, s2  }
0x8d: {  	s2 =	sadd.s32 s2, s16  }
0x8e: {  	[smem:$0x3FB6] =	sst s2  }
0x8f: {  	_ = 	snop  }
0x90: {  	(tm) =	ssettm $0x1  }
0x91: {  	s17 =	sld [smem:$0x3FFB];
	_ =	sdelay $0x3  }
0x92: {  	_ =	strace s17  }
0x93: {  	s2 =	sld [smem:$0x3FFC];
	_ =	sdelay $0x3  }
0x94: {  	_ =	strace s2  }
0x95: {  	s2 =	sld [smem:$0x3FFD];
	_ =	sdelay $0x3  }
0x96: {  	_ =	strace s2  }
0x97: {  	_ =	strace $0x8FFFFFFF  }
0x98: {  	s18 =	sld [smem:$0x3FDB];
	_ =	sdelay $0x1  }
0x99: {  	s19 =	simm.s32 $_scs_section_size  }
0x9a: {  	s4 =	simm.s32 $_size__tile_overlayer_lowered;
	s5 =	simm.s32 $_tile_overlayer_lowered  }
0x9b: {  	s22 =	simm.s32 $0x1BFF;
	s21 =	sshll.u32 s5, $0x1;
	s2 =	sadd.s32 s19, s18  }
0x9c: {  	s6 =	simm.s32 $0x0;
	s20 =	sshll.u32 s4, $0x1;
	s4 =	sadd.s32 s21, s2  }
0x9d: {  	[timem:s6], [sflag:s22] =	dma.local [hbm:s4], s20  }
0x9e: {  	_ =	swait.ge [sflag:s22], s20  }
0x9f: {  	s3 =	ssub.s32 $0x0, s20;
	[sflag:s22] =	ssyncset.done $0x0  }
0xa0: {  	[sflag:s22] =	ssyncadd.s32 s3;
	_ =	sdelay $0x1  }
0xa1: {  	s23 =	simm.s32 $0x1B8B  }
0xa2: {  	_ =	swait.ge [sflag:s23], $0x1  }
0xa3: {  	[sflag:s23] =	ssyncset.done $0x0  }
0xa4: {  	s25 =	simm.s32 $0x1B8E;
	s24 =	sld [smem:$0x3FFE];
	[sflag:s23] =	ssyncadd.s32 $0xFFFFFFFF  }
0xa5: {  	s26 =	simm.s32 $execute0_lowered;
	[smem:$0x3FD2] =	sst s25  }
0xa6: {  	s4 =	sshll.u32 s26, $0x1;
	_ =	strace $0x80000049;
	[dreg:$0x1] =	wrdreg $0xFFFFFFFF  }
0xa7: {  	s28 =	simm.s32 $_size_execute0_lowered;
	s2 =	sadd.s32 s2, s4;
	[dreg:$0x0] =	wrdreg $0x0  }
0xa8: {  	s4 =	sshll.u32 s28, $0x1;
	[dreg:$0x2] =	wrdreg s2  }
0xa9: {  	[dreg:$0x3] =	wrdreg s4  }
0xaa: {  	[dreg:$0x4] =	wrdreg $0xC0  }
0xab: {  	_ =	task [dreg:s6], $0x5FFFF  }
0xac: {  	[dreg:$0x1] =	wrdreg $0xFFFFFFFF  }
0xad: {  	[dreg:$0x0] =	wrdreg $0x60  }
0xae: {  	[dreg:$0x2] =	wrdreg s24  }
0xaf: {  	[dreg:$0x3] =	wrdreg $0x70000  }
0xb0: {  	[dreg:$0x4] =	wrdreg $0x9  }
0xb1: {  	_ =	task.clear_ibuf [dreg:s6], $0x5FFFF;
	_ =	strace $0x90000049  }
0xb2: {  	s29 =	simm.s32 $0x9;
	_ =	strace $0x8000004B  }
0xb3: {  	_ =	swait.ge [sflag:s29], $0x1  }
0xb4: {  	[sflag:s29] =	ssyncadd.s32 $0xFFFFFFFF  }
0xb5: {  	_ =	strace $0x9000004B  }
0xb6: {  	_ =	sfence  }
0xb7: {  	s30 =	sld [smem:$0x0];
	_ =	sdelay $0x2  }
0xb8: {  	s31 =	sshll.u32 s1, $0xD;
	s1 =	sshrl.u32 s1, $0x2  }
0xb9: {  	s3 =	sand.u32 $0x4000, s31;
	s1 =	sadd.s32 s1, s30  }
0xba: {  	s0 =	sor.u32 s3, s0;
	s1 =	sshll.u32 s1, $0x11  }
0xbb: {  	s0 =	sor.u32 s1, s0  }
0xbc: {  	s0 =	sadd.s32 $0x8F2B, s0  }
0xbd: {  	[sflag:s0] =	ssyncadd.remote.s32 $0x1  }
0xbe: {  	_ =	sfence.sel $0xFFFF  }
0xbf: {  	[dreg:$0x0] =	wrdreg $0xFFFFFFFF;
	(pc) =	sbr.abs _section_cstart, $3  }
0xc0: {  	[dreg:$0x1] =	wrdreg $0xFFFFFFFF  }
0xc1: {  	_ =	task.clear_ibuf [dreg:s6], $0x2FFFF;
	_ =	strace $0x9FFFFFFF  }
0xc2: {  	(tm) =	ssettm $0x7FFFFFFF  }
0xc3: {  	_ =	shalt  }
tec
execute0_lowered:
.L_overlay_start_1:
0x0: {  	(tag) =	ssettag $0x1  }
0x1: {  	s0 =	rddreg [dreg:$0x0]  }
0x2: {  	s1 =	rddreg [dreg:$0x1];
	s2 =	simm.s32 $0x0;
	s7 =	srdreg.scid  }
0x3: {  	s3 =	stileid.u32;
	s18 =	simm.s32 $0x5;
	s20 =	simm.s32 $0x800  }
0x4: {  	s21 =	simm.s32 $0x50;
	s22 =	simm.s32 $0x2000;
	s23 =	simm.s32 $0x1  }
0x5: {  	s24 =	simm.s32 $0x4800;
	s28 =	simm.s32 $0x4;
	[smem:$0x7FF] =	sst s2  }
0x6: {  	s4 =	sadd.s32 $0x6E200, s0;
	s5 =	sadd.s32 $0x96200, s0;
	s6 =	sadd.s32 $0x14200, s0  }
0x7: {  	s10 =	sand.u32 $0x1, s7;
	s25 =	sadd.s32 $0xBE200, s0;
	s11 =	smul.u32 $0x4F000, s3  }
0x8: {  	s0 =	sadd.s32 $0xE6200, s0;
	s12 =	smul.u32 $0x19000, s3;
	s15 =	sshll.u32 s3, $0x6  }
0x9: {  	_ =	strace $0x8000004A;
	[dreg:$0x3] =	wrdreg s25;
	s9 =	ssub.s32 $0x2, s10  }
0xa: {  	[dreg:$0x4] =	wrdreg s0;
	p0 =	seq.s32 s10, $0x1;
	s26 =	sshrl.u32 s9, $0x1  }
0xb: {  	s16 =	sor.u32 $0x1C05, s15;
	s0 =	ssub.s32 s9, s26;
	s9 =	smul.u32 $0x2780, s3  }
.Ltmp0:
0xc: {  	s25 =	simm.s32 $0x2;
	s11 =	sshrl.u32 s11, $0x2;
	(pc) =	sbr.rel .LBB2_1-.Ltmp0, $4  }
0xd: {  	s29 =	sshrl.u32 s12, $0x3;
	s12 =	sadd.s32 $0x1000, s12;
	s17 =	sadd.s32 s11, s1  }
0xe: {  	s11 =	sadd.s32 s6, s29;
	s26 =	simm.s32 $0x3;
	s30 =	sadd.s32 s4, s9  }
0xf: {  	s14 =	smax.u32 s0, $0x1;
	s31 =	sadd.s32 s5, s9;
	[dreg:$0x5] =	wrdreg s30  }
0x10: {  	s17 =	sshrl.u32 s17, $0x3;
	s19 =	sadd.s32 $0x100, s11;
	[dreg:$0x6] =	wrdreg s31  }
.LBB2_8:
0x11: {  	s0 =	rddreg [dreg:$0x4];
	s29 =	smov.u32 s16  }
.LBB2_9:
0x12: {  	_ =	swait.ge [sflag:s28], $0x2800  }
0x13: {  	s2 =	sadd.s32 $0x1, s2;
	[sflag:s28] =	ssyncset.done $0x0  }
0x14: {  	p1 =	sne.s32 s2, s14;
	[sflag:s28] =	ssyncadd.s32 $0xFFFFD800  }
.Ltmp1:
0x15: {  	s0 =	sadd.s32 s0, s9;
	[bflag:$0x0] =	sbarrier.arrive $0xFFFF;
	(pc) =	sbr.rel @!p1 .LBB2_10-.Ltmp1, $4  }
0x16: {  	[hbm:s0], [sflag:s29] =	dma.local [spmem:s17], $0x2780  }
0x17: {  	_ =	swait.ge [sflag:s18], $0x2780  }
0x18: {  	[sflag:s18] =	ssyncset.done $0x0  }
0x19: {  	[sflag:s18] =	ssyncadd.s32 $0xFFFFD880  }
.LBB2_1:
.Ltmp2:
0x1a: {  	(pc) =	sbr.rel @!p0 .LBB2_2-.Ltmp2, $1  }
0x1b: {  	_ =	sdelay $0x3  }
0x1c: {  	s0 =	rddreg [dreg:$0x6]  }
0x1d: {  	[spmem:s17], [sflag:s16] =	dma.local [hbm:s0], $0x2780  }
0x1e: {  	_ =	swait.ge [sflag:s18], $0x2780  }
0x1f: {  	[sflag:s18] =	ssyncset.done $0x0  }
0x20: {  	[sflag:s18] =	ssyncadd.s32 $0xFFFFD880  }
0x21: {  	s29 =	simm.s32 $0x0;
	[bflag:$0x0] =	sbarrier.arrive $0xFFFF  }
0x22: {  	[tilespmem:s29], [sflag:$0x5] =	stream.linear.gather [hbm4b:s11+s29], $0x500, $0x38;
	[tilespmem:$0x1AC00] =	vst v63  }
0x23: {  	_ = 	snop  }
0x24: {  	[tilespmem:s20], [sflag:$0x5] =	stream.linear.gather [hbm4b:s19+s29], $0x500, $0x38;
	[tilespmem:$0x1AC00] =	vst v63  }
0x25: {  	_ =	swait.ge [sflag:s18], $0xA00  }
0x26: {  	[sflag:s18] =	ssyncset.done $0x0  }
0x27: {  	s30 =	simm.s32 $0x100;
	s0 =	simm.s32 $0x2;
	[sflag:s18] =	ssyncadd.s32 $0xFFFFF600  }
0x28: {  	[tilespmem:s22], [sflag:$0x1] =	stream.indirect.gather [hbm4b:s5+s21], $0x80, s29, s21, $0xb8;
	[tilespmem:$0x1AC00] =	vst v63  }
.LBB2_7:
0x29: {  	s3 =	smul.u32 $0xCD, s29;
	_ =	sdelay $0x1  }
0x2a: {  	s7 =	sshrl.u32 s3, $0xA  }
0x2b: {  	s7 =	sand.u32 $0x3F, s7  }
0x2c: {  	s7 =	smul.u32 $0x5, s7;
	_ =	sdelay $0x1  }
0x2d: {  	_ =	swait.ge [sflag:s23], $0x2800;
	s7 =	ssub.s32 s29, s7  }
0x2e: {  	p1 =	sgt.u32 s29, $0x77;
	s3 =	sshll.u32 s3, $0x2;
	s8 =	sand.u32 $0xFF, s7  }
0x2f: {  	p2 =	seq.s32 s29, $0x0;
	s10 =	sand.u32 $0x1000, s3;
	s8 =	sshll.u32 s8, $0x8  }
0x30: {  	[sflag:s23] =	ssyncset.done $0x0;
	s7 =	sand.u32 @!p1 $0xFF, s7;
	s8 =	sor.u32 s8, s10  }
0x31: {  	[sflag:s23] =	ssyncadd.s32 $0xFFFFD800;
	p3 =	sne.s32 @!p1 s7, $0x0;
	s13 =	sor.u32 $0x800, s8  }
0x32: {  	[spmem:s1] =	stream.indirect.scatter.add.f32 [tilespmem:s22], [sflag:$0x3], $0x80, s13, s21, $0xb8;
	[tilespmem:$0x1AC00] =	vst v63  }
0x33: {  	s3 =	sand.u32 $0x3F000, s3;
	p1 =	por p3, p1;
	s13 =	simm.s32 @!p2 $0x4  }
0x34: {  	s3 =	sadd.s32 @!p1 s3, s12;
	_ =	swait.ge @!p2 [sflag:s13], $0x2800  }
0x35: {  	s7 =	ssub.s32 @!p1 $0x1000, s10;
	s3 =	sshrl.u32 @!p1 s3, $0x3;
	[sflag:s13] =	ssyncset.done @!p2 $0x0  }
0x36: {  	s3 =	sadd.s32 @!p1 s6, s3;
	[sflag:s13] =	ssyncadd.s32 @!p2 $0xFFFFD800;
	s13 =	simm.s32 @!p1 $0x0  }
0x37: {  	[tilespmem:s7], [sflag:$0x5] =	stream.linear.gather @!p1 [hbm4b:s3+s13], $0x500, $0x38;
	[tilespmem:$0x1AC00] =	vst v63  }
0x38: {  	s3 =	sadd.s32 @!p1 $0x100, s3;
	s7 =	ssub.s32 @!p1 $0x1800, s10  }
0x39: {  	[tilespmem:s7], [sflag:$0x5] =	stream.linear.gather @!p1 [hbm4b:s3+s13], $0x500, $0x38;
	[tilespmem:$0x1AC00] =	vst v63  }
0x3a: {  	s3 =	simm.s32 @!p1 $0x5  }
0x3b: {  	_ =	swait.ge @!p1 [sflag:s3], $0xA00  }
0x3c: {  	[sflag:s3] =	ssyncset.done @!p1 $0x0  }
0x3d: {  	s13 =	sadd.s32 $0x80, s8;
	[sflag:s3] =	ssyncadd.s32 @!p1 $0xFFFFF600  }
0x3e: {  	[tilespmem:s24], [sflag:$0x2] =	stream.indirect.gather [hbm4b:s5+s21], $0x80, s13, s21, $0xb8;
	[tilespmem:$0x1AC00] =	vst v63  }
0x3f: {  	_ =	swait.ge [sflag:s25], $0x2800  }
0x40: {  	p1 =	seq.s32 s0, $0xFA;
	[sflag:s25] =	ssyncset.done $0x0  }
.Ltmp3:
0x41: {  	[sflag:s25] =	ssyncadd.s32 $0xFFFFD800;
	(pc) =	sbr.rel @p1 .LBB2_8-.Ltmp3, $4  }
0x42: {  	_ =	swait.ge [sflag:s26], $0x2800  }
0x43: {  	[sflag:s26] =	ssyncset.done $0x0  }
0x44: {  	s31 =	sadd.s32 $0x880, s8;
	[sflag:s26] =	ssyncadd.s32 $0xFFFFD800  }
0x45: {  	[spmem:s1] =	stream.indirect.scatter.add.f32 [tilespmem:s24], [sflag:$0x4], $0x80, s31, s21, $0xb8;
	[tilespmem:$0x1AC00] =	vst v63  }
0x46: {  	s3 =	smulhi.u32 $0xCCCCCCCD, s0;
	_ =	sdelay $0x1  }
0x47: {  	s7 =	sshrl.u32 s3, $0x3  }
0x48: {  	s3 =	sshll.u32 s3, $0xB;
	s7 =	smul.u32 $0x1400, s7  }
.Ltmp4:
0x49: {  	s3 =	sand.u32 $0x4000, s3;
	(pc) =	sbr.rel .LBB2_7-.Ltmp4, $4  }
0x4a: {  	s3 =	ssub.s32 s3, s7  }
0x4b: {  	s29 =	sadd.s32 $0x1, s29;
	s3 =	sshra.s32 s3, $0x2  }
0x4c: {  	s0 =	sadd.s32 $0x2, s0;
	s3 =	sadd.s32 s3, s30;
	s30 =	sadd.s32 $0x100, s30  }
0x4d: {  	[tilespmem:s22], [sflag:$0x1] =	stream.indirect.gather [hbm4b:s5+s21], $0x80, s3, s21, $0xb8;
	[tilespmem:$0x1AC00] =	vst v63  }
.LBB2_2:
0x4e: {  	s29 =	sor.u32 $0x1C05, s15;
	s0 =	rddreg [dreg:$0x5]  }
0x4f: {  	[spmem:s17], [sflag:s29] =	dma.local [hbm:s0], $0x2780  }
0x50: {  	_ =	swait.ge [sflag:s18], $0x2780  }
0x51: {  	[sflag:s18] =	ssyncset.done $0x0  }
0x52: {  	[sflag:s18] =	ssyncadd.s32 $0xFFFFD880  }
0x53: {  	s30 =	simm.s32 $0x0;
	[bflag:$0x0] =	sbarrier.arrive $0xFFFF  }
0x54: {  	[tilespmem:s30], [sflag:$0x5] =	stream.linear.gather [hbm4b:s11+s30], $0x500, $0x38;
	[tilespmem:$0x1AC00] =	vst v63  }
0x55: {  	_ = 	snop  }
0x56: {  	[tilespmem:s20], [sflag:$0x5] =	stream.linear.gather [hbm4b:s19+s30], $0x500, $0x38;
	[tilespmem:$0x1AC00] =	vst v63  }
0x57: {  	_ =	swait.ge [sflag:s18], $0xA00  }
0x58: {  	[sflag:s18] =	ssyncset.done $0x0  }
0x59: {  	s31 =	simm.s32 $0x100;
	s0 =	simm.s32 $0x2;
	[sflag:s18] =	ssyncadd.s32 $0xFFFFF600  }
0x5a: {  	[tilespmem:s22], [sflag:$0x1] =	stream.indirect.gather [hbm4b:s4+s21], $0x80, s30, s21, $0xb8;
	[tilespmem:$0x1AC00] =	vst v63  }
.LBB2_3:
0x5b: {  	s3 =	smul.u32 $0xCD, s30;
	_ =	sdelay $0x1  }
0x5c: {  	s7 =	sshrl.u32 s3, $0xA  }
0x5d: {  	s7 =	sand.u32 $0x3F, s7  }
0x5e: {  	s7 =	smul.u32 $0x5, s7;
	_ =	sdelay $0x1  }
0x5f: {  	_ =	swait.ge [sflag:s23], $0x2800;
	s7 =	ssub.s32 s30, s7  }
0x60: {  	p1 =	sgt.u32 s30, $0x77;
	s3 =	sshll.u32 s3, $0x2;
	s8 =	sand.u32 $0xFF, s7  }
0x61: {  	p2 =	seq.s32 s30, $0x0;
	s10 =	sand.u32 $0x1000, s3;
	s8 =	sshll.u32 s8, $0x8  }
0x62: {  	[sflag:s23] =	ssyncset.done $0x0;
	s7 =	sand.u32 @!p1 $0xFF, s7;
	s8 =	sor.u32 s8, s10  }
0x63: {  	[sflag:s23] =	ssyncadd.s32 $0xFFFFD800;
	p3 =	sne.s32 @!p1 s7, $0x0;
	s13 =	sor.u32 $0x800, s8  }
0x64: {  	[spmem:s1] =	stream.indirect.scatter.add.f32 [tilespmem:s22], [sflag:$0x3], $0x80, s13, s21, $0xb8;
	[tilespmem:$0x1AC00] =	vst v63  }
0x65: {  	s3 =	sand.u32 $0x3F000, s3;
	p1 =	por p3, p1;
	s13 =	simm.s32 @!p2 $0x4  }
0x66: {  	s3 =	sadd.s32 @!p1 s3, s12;
	_ =	swait.ge @!p2 [sflag:s13], $0x2800  }
0x67: {  	s7 =	ssub.s32 @!p1 $0x1000, s10;
	s3 =	sshrl.u32 @!p1 s3, $0x3;
	[sflag:s13] =	ssyncset.done @!p2 $0x0  }
0x68: {  	s3 =	sadd.s32 @!p1 s6, s3;
	[sflag:s13] =	ssyncadd.s32 @!p2 $0xFFFFD800;
	s13 =	simm.s32 @!p1 $0x0  }
0x69: {  	[tilespmem:s7], [sflag:$0x5] =	stream.linear.gather @!p1 [hbm4b:s3+s13], $0x500, $0x38;
	[tilespmem:$0x1AC00] =	vst v63  }
0x6a: {  	s3 =	sadd.s32 @!p1 $0x100, s3;
	s7 =	ssub.s32 @!p1 $0x1800, s10  }
0x6b: {  	[tilespmem:s7], [sflag:$0x5] =	stream.linear.gather @!p1 [hbm4b:s3+s13], $0x500, $0x38;
	[tilespmem:$0x1AC00] =	vst v63  }
0x6c: {  	s3 =	simm.s32 @!p1 $0x5  }
0x6d: {  	_ =	swait.ge @!p1 [sflag:s3], $0xA00  }
0x6e: {  	[sflag:s3] =	ssyncset.done @!p1 $0x0  }
0x6f: {  	s10 =	sadd.s32 $0x80, s8;
	[sflag:s3] =	ssyncadd.s32 @!p1 $0xFFFFF600  }
0x70: {  	[tilespmem:s24], [sflag:$0x2] =	stream.indirect.gather [hbm4b:s4+s21], $0x80, s10, s21, $0xb8;
	[tilespmem:$0x1AC00] =	vst v63  }
0x71: {  	_ =	swait.ge [sflag:s25], $0x2800  }
0x72: {  	p1 =	seq.s32 s0, $0xFA;
	[sflag:s25] =	ssyncset.done $0x0  }
.Ltmp5:
0x73: {  	[sflag:s25] =	ssyncadd.s32 $0xFFFFD800;
	(pc) =	sbr.rel @p1 .LBB2_4-.Ltmp5, $4  }
0x74: {  	_ =	swait.ge [sflag:s26], $0x2800  }
0x75: {  	[sflag:s26] =	ssyncset.done $0x0  }
0x76: {  	s13 =	sadd.s32 $0x880, s8;
	[sflag:s26] =	ssyncadd.s32 $0xFFFFD800  }
0x77: {  	[spmem:s1] =	stream.indirect.scatter.add.f32 [tilespmem:s24], [sflag:$0x4], $0x80, s13, s21, $0xb8;
	[tilespmem:$0x1AC00] =	vst v63  }
0x78: {  	s3 =	smulhi.u32 $0xCCCCCCCD, s0;
	_ =	sdelay $0x1  }
0x79: {  	s7 =	sshrl.u32 s3, $0x3  }
0x7a: {  	s3 =	sshll.u32 s3, $0xB;
	s7 =	smul.u32 $0x1400, s7  }
.Ltmp6:
0x7b: {  	s3 =	sand.u32 $0x4000, s3;
	(pc) =	sbr.rel .LBB2_3-.Ltmp6, $4  }
0x7c: {  	s3 =	ssub.s32 s3, s7  }
0x7d: {  	s30 =	sadd.s32 $0x1, s30;
	s3 =	sshra.s32 s3, $0x2  }
0x7e: {  	s0 =	sadd.s32 $0x2, s0;
	s3 =	sadd.s32 s3, s31;
	s31 =	sadd.s32 $0x100, s31  }
0x7f: {  	[tilespmem:s22], [sflag:$0x1] =	stream.indirect.gather [hbm4b:s4+s21], $0x80, s3, s21, $0xb8;
	[tilespmem:$0x1AC00] =	vst v63  }
.LBB2_4:
.Ltmp7:
0x80: {  	(pc) =	sbr.rel .LBB2_9-.Ltmp7, $2  }
0x81: {  	_ =	sdelay $0x2  }
0x82: {  	s0 =	rddreg [dreg:$0x3]  }
.LBB2_10:
0x83: {  	_ =	sfence.sel $0x180000  }
0x84: {  	[bflag:$0x0] =	sbarrier.arrive $0xFFFF  }
0x85: {  	_ =	strace $0x9000004A  }
0x86: {  	s0 =	stileid.u32;
	[bflag:$0x2] =	sbarrier.arrive $0xFFFF  }
0x87: {  	p0 =	sne.s32 s0, $0x0;
	s0 =	rddreg [dreg:$0x2]  }
0x88: {  	s0 =	sadd.s32 @!p0 $0x100000, s0  }
0x89: {  	[sflag:s0] =	ssyncadd.tile.s32 @!p0 $0x1;
	_ =	shalt  }
.Lfunc_end2:
_tile_overlayer_lowered:
.L_overlay_start_2:
0x8a: {  	(tag) =	ssettag $0x2  }
0x8b: {  	s0 =	rddreg [dreg:$0x0];
	s2 =	stileid.u32  }
0x8c: {  	s1 =	rddreg [dreg:$0x1];
	p0 =	sne.s32 s2, $0x0  }
0x8d: {  	s3 =	rddreg [dreg:$0x2];
	[bflag:$0x3] =	sbarrier.arrive $0xFFFF;
	s2 =	simm.s32 @!p0 $0x1C05  }
0x8e: {  	[timem:s3], [sflag:s2] =	dma.local @!p0 [hbm:s0], s1  }
0x8f: {  	s0 =	simm.s32 @!p0 $0x5  }
0x90: {  	_ =	swait.ge @!p0 [sflag:s0], s1  }
0x91: {  	s1 =	ssub.s32 @!p0 $0x0, s1;
	[sflag:s0] =	ssyncset.done @!p0 $0x0  }
0x92: {  	[sflag:s0] =	ssyncadd.s32 @!p0 s1  }
0x93: {  	[bflag:$0x3] =	sbarrier.arrive $0xFFFF  }
0x94: {  	_ =	shalt  }

</sc_bundles>
